<compile_context>
chip_gen: v7x
topology: tpu7x:2x2x1
jax: 0.10.2.dev20260603
libtpu: 0.0.44.dev20260713+nightly
codegen_flags: <defaults>
</compile_context>

<pallas_src>
import functools

import jax
import jax.numpy as jnp
from jax import lax
from jax.experimental import pallas as pl
from jax.experimental.pallas import tpu as pltpu
from jax.experimental.pallas import tpu_sc as plsc

NUM_EMB = 1024
DIM = 64
N_TOKENS = 16 * 64 * 64
BN = 4096
N_CHUNKS = 1
CHUNK = N_TOKENS // N_CHUNKS
GRID = CHUNK // BN

NC, NS = 2, 16
NW = NC * NS
B_PER_W = CHUNK // NW
CH = 128


def _dist_argmin_body(x_ref, w_ref, idx_ref, w2_ref, iotaf_ref, wm2_ref):
    @pl.when(pl.program_id(0) == 0)
    def _():
        w = w_ref[...]
        w2_ref[...] = jnp.sum(w * w, axis=1)[None, :]
        ii = lax.broadcasted_iota(jnp.int32, (1, NUM_EMB), 1)
        iotaf_ref[...] = ii.astype(jnp.float32)
        wm2_ref[...] = w * -2.0

    x = jnp.transpose(x_ref[0].reshape(DIM, BN))
    x2 = jnp.sum(x * x, axis=1, keepdims=True)
    mm2 = lax.dot_general(x, wm2_ref[...], (((1,), (1,)), ((), ())),
                          preferred_element_type=jnp.float32)
    d = (x2 + w2_ref[...]) + mm2
    dmin = jnp.min(d, axis=1, keepdims=True)
    idxf = jnp.min(jnp.where(d == dmin, iotaf_ref[...], float(2 * NUM_EMB)),
                   axis=1)
    idx_ref[0, 0, :] = idxf.astype(jnp.int32)


def _encode(x4d, W):
    return pl.pallas_call(
        _dist_argmin_body,
        grid=(GRID,),
        in_specs=[
            pl.BlockSpec((1, DIM, 64, 64), lambda i: (i, 0, 0, 0)),
            pl.BlockSpec((NUM_EMB, DIM), lambda i: (0, 0)),
        ],
        out_specs=pl.BlockSpec((1, 1, BN), lambda i: (i, 0, 0)),
        out_shape=jax.ShapeDtypeStruct((GRID, 1, BN), jnp.int32),
        scratch_shapes=[pltpu.VMEM((1, NUM_EMB), jnp.float32),
                        pltpu.VMEM((1, NUM_EMB), jnp.float32),
                        pltpu.VMEM((NUM_EMB, DIM), jnp.float32)],
    )(x4d, W)


D2 = 2 * DIM


@functools.partial(
    pl.kernel,
    out_type=jax.ShapeDtypeStruct((CHUNK, D2), jnp.float32),
    mesh=plsc.VectorSubcoreMesh(core_axis_name="c", subcore_axis_name="s"),
    scratch_types=[
        pltpu.VMEM((B_PER_W,), jnp.int32),
        pltpu.VMEM((CH, D2), jnp.float32),
        pltpu.VMEM((CH, D2), jnp.float32),
        pltpu.SemaphoreType.DMA,
        pltpu.SemaphoreType.DMA,
    ],
)
def _gather_rows(w_hbm, idx_hbm, out_hbm, idx_v, rows_v0, rows_v1, s0, s1):
    wid = lax.axis_index("s") * NC + lax.axis_index("c")
    base = wid * B_PER_W
    pltpu.sync_copy(idx_hbm.at[pl.ds(base, B_PER_W)], idx_v)
    bufs, sems = (rows_v0, rows_v1), (s0, s1)
    nch = B_PER_W // CH
    cps = [pltpu.async_copy(w_hbm.at[idx_v.at[pl.ds(0, CH)]], rows_v0, s0),
           None]
    for c in range(nch):
        if c + 1 < nch:
            cps[(c + 1) % 2] = pltpu.async_copy(
                w_hbm.at[idx_v.at[pl.ds((c + 1) * CH, CH)]],
                bufs[(c + 1) % 2], sems[(c + 1) % 2])
        cps[c % 2].wait()
        pltpu.sync_copy(bufs[c % 2], out_hbm.at[pl.ds(base + c * CH, CH)])


def _transpose_body(q_ref, o_ref):
    t = jnp.transpose(q_ref[0][:, :DIM])
    o_ref[0] = t.reshape(DIM, 64, 64)


def _transpose_out(q128):
    return pl.pallas_call(
        _transpose_body,
        grid=(16,),
        in_specs=[pl.BlockSpec((1, 4096, D2), lambda i: (i, 0, 0))],
        out_specs=pl.BlockSpec((1, DIM, 64, 64), lambda i: (i, 0, 0, 0)),
        out_shape=jax.ShapeDtypeStruct((16, DIM, 64, 64), jnp.float32),
    )(q128)


def kernel(inputs, W):
    b, c, h, w = inputs.shape
    idx = _encode(inputs, W).reshape(-1)
    wd = jnp.concatenate([W, W], axis=1)
    q128 = _gather_rows(wd, idx)
    quantized = _transpose_out(q128.reshape(b, h * w, D2))
    return quantized, idx.reshape(b, h, w)

# --- scband reference (transcript-rebuilt; emitter-appended) ---
"""Pipeline reference for scband-vector-quantizer-32195074851360 (READ-ONLY COPY).

The authoritative reference and input builder live on the scoring server;
editing this copy changes nothing except your own understanding.
"""

import jax, jax.numpy as jnp
import numpy as np

NUM_EMBEDDINGS = 1024
EMBEDDING_DIM = 64


def setup_inputs(seed: int = 0) -> dict:
    key = jax.random.key(seed)
    k1, k2 = jax.random.split(key)
    inputs = jax.random.normal(k1, (16, 64, 64, 64), dtype=jnp.float32)
    W = jax.random.uniform(k2, (NUM_EMBEDDINGS, EMBEDDING_DIM), dtype=jnp.float32,
                           minval=-1.0 / NUM_EMBEDDINGS, maxval=1.0 / NUM_EMBEDDINGS)
    return {"inputs": inputs, "W": W}


def reference(inputs, W):
    # inputs: [B, C, H, W_sp] with C == EMBEDDING_DIM
    x = jnp.transpose(inputs, (0, 2, 3, 1))  # [B, H, W_sp, C]
    input_shape = x.shape
    flat_input = x.reshape(-1, EMBEDDING_DIM)
    distances = (jnp.sum(flat_input ** 2, axis=1, keepdims=True)
                 + jnp.sum(W ** 2, axis=1)
                 - 2.0 * jnp.matmul(flat_input, W.T))
    encoding_indices = jnp.argmin(distances, axis=1)
    encodings = jax.nn.one_hot(encoding_indices, NUM_EMBEDDINGS, dtype=flat_input.dtype)
    quantized = jnp.matmul(encodings, W).reshape(input_shape)
    quantized = jnp.transpose(quantized, (0, 3, 1, 2))  # back to [B, C, H, W_sp]
    return quantized, encoding_indices.reshape(input_shape[:-1])

if __name__ == "__main__":
    import jax
    _d = setup_inputs()
    print(jax.jit(kernel)(*tuple(_d.values())))

</pallas_src>

<mosaic_0001>
#map = affine_map<(d0, d1) -> (0, 0)>
#map1 = affine_map<(d0, d1) -> (0)>
module attributes {stable_mosaic.version = 14 : i64} {
  func.func @_gather_rows(%arg0: i32, %arg1: i32, %arg2: memref<1024x128xf32, #tpu.memory_space<hbm>>, %arg3: memref<65536xi32, #tpu.memory_space<hbm>>, %arg4: memref<65536x128xf32, #tpu.memory_space<hbm>>, %arg5: memref<2048xi32, #tpu.memory_space<vmem>>, %arg6: memref<128x128xf32, #tpu.memory_space<vmem>>, %arg7: memref<128x128xf32, #tpu.memory_space<vmem>>, %arg8: memref<!tpu.dma_semaphore, #tpu.memory_space<semaphore_mem>>, %arg9: memref<!tpu.dma_semaphore, #tpu.memory_space<semaphore_mem>>) attributes {dimension_semantics = [#tpu.dimension_semantics<core_parallel>, #tpu.dimension_semantics<subcore_parallel>], iteration_bounds = array<i64: 2, 16>, scalar_prefetch = 0 : i64, scratch_operands = 5 : i64, tpu.core_type = #tpu.core_type<sc_vector_subcore>, window_params = [{transform_indices = #map}, {transform_indices = #map1}, {transform_indices = #map}]} {
    %mul3A = arith.constant 2 : i32
    %mul3A_0 = arith.muli %arg1, %mul3A : i32
    %add3A = arith.addi %mul3A_0, %arg0 : i32
    %mul3A_1 = arith.constant 2048 : i32
    %mul3A_2 = arith.muli %add3A, %mul3A_1 : i32
    "tpu.region"() ({
      %run_scoped3A = tpu.sem_alloc : memref<!tpu.dma_semaphore, #tpu.memory_space<semaphore_mem>>
      %dma_start3A_193 = tpu.memref_slice %arg3[%mul3A_2] : memref<65536xi32, #tpu.memory_space<hbm>> -> memref<2048xi32, #tpu.memory_space<hbm>>
      %dma_start3A_194 = tpu.memref_slice %arg3[%mul3A_2] : memref<65536xi32, #tpu.memory_space<hbm>> -> memref<2048xi32, #tpu.memory_space<hbm>>
      tpu.enqueue_dma source(%dma_start3A_194 : memref<2048xi32, #tpu.memory_space<hbm>>) target(%arg5 : memref<2048xi32, #tpu.memory_space<vmem>>) target_semaphore(%run_scoped3A : memref<!tpu.dma_semaphore, #tpu.memory_space<semaphore_mem>>)
      %dma_wait3A_195 = tpu.memref_slice %arg3[%mul3A_2] : memref<65536xi32, #tpu.memory_space<hbm>> -> memref<2048xi32, #tpu.memory_space<hbm>>
      %dma_wait3A_196 = tpu.memref_slice %arg3[%mul3A_2] : memref<65536xi32, #tpu.memory_space<hbm>> -> memref<2048xi32, #tpu.memory_space<hbm>>
      tpu.wait_dma2 semaphore(%run_scoped3A : memref<!tpu.dma_semaphore, #tpu.memory_space<semaphore_mem>>) src(%dma_wait3A_196 : memref<2048xi32, #tpu.memory_space<hbm>>) dst(%arg5 : memref<2048xi32, #tpu.memory_space<vmem>>)
      tpu.yield
    }) : () -> ()
    %dma_start3A = arith.constant 0 : i32
    %dma_start3A_3 = tpu.memref_slice %arg5[%dma_start3A] : memref<2048xi32, #tpu.memory_space<vmem>> -> memref<128xi32, #tpu.memory_space<vmem>>
    %dma_start3A_4 = arith.constant 0 : i32
    %dma_start3A_5 = arith.constant 0 : i32
    %dma_start3A_6 = tpu.memref_slice %arg2[%dma_start3A_4, %dma_start3A_5] : memref<1024x128xf32, #tpu.memory_space<hbm>> -> memref<1024x128xf32, #tpu.memory_space<hbm>>
    tpu.enqueue_indirect_dma source(%dma_start3A_6 : memref<1024x128xf32, #tpu.memory_space<hbm>>) target(%arg6 : memref<128x128xf32, #tpu.memory_space<vmem>>) offsets(%dma_start3A_3 : memref<128xi32, #tpu.memory_space<vmem>>) semaphore(%arg8 : memref<!tpu.dma_semaphore, #tpu.memory_space<semaphore_mem>>)
    %dma_start3A_7 = arith.constant 128 : i32
    %dma_start3A_8 = tpu.memref_slice %arg5[%dma_start3A_7] : memref<2048xi32, #tpu.memory_space<vmem>> -> memref<128xi32, #tpu.memory_space<vmem>>
    %dma_start3A_9 = arith.constant 0 : i32
    %dma_start3A_10 = arith.constant 0 : i32
    %dma_start3A_11 = tpu.memref_slice %arg2[%dma_start3A_9, %dma_start3A_10] : memref<1024x128xf32, #tpu.memory_space<hbm>> -> memref<1024x128xf32, #tpu.memory_space<hbm>>
    tpu.enqueue_indirect_dma source(%dma_start3A_11 : memref<1024x128xf32, #tpu.memory_space<hbm>>) target(%arg7 : memref<128x128xf32, #tpu.memory_space<vmem>>) offsets(%dma_start3A_8 : memref<128xi32, #tpu.memory_space<vmem>>) semaphore(%arg9 : memref<!tpu.dma_semaphore, #tpu.memory_space<semaphore_mem>>)
    %dma_wait3A = arith.constant 0 : i32
    %dma_wait3A_12 = tpu.memref_slice %arg5[%dma_wait3A] : memref<2048xi32, #tpu.memory_space<vmem>> -> memref<128xi32, #tpu.memory_space<vmem>>
    %dma_wait3A_13 = arith.constant 0 : i32
    %dma_wait3A_14 = arith.constant 0 : i32
    %dma_wait3A_15 = tpu.memref_slice %arg2[%dma_wait3A_13, %dma_wait3A_14] : memref<1024x128xf32, #tpu.memory_space<hbm>> -> memref<1024x128xf32, #tpu.memory_space<hbm>>
    tpu.wait_indirect_dma semaphore(%arg8 : memref<!tpu.dma_semaphore, #tpu.memory_space<semaphore_mem>>) src(%dma_wait3A_15 : memref<1024x128xf32, #tpu.memory_space<hbm>>) dst(%arg6 : memref<128x128xf32, #tpu.memory_space<vmem>>)
    %add3A_16 = arith.constant 0 : i32
    %add3A_17 = arith.addi %mul3A_2, %add3A_16 : i32
    "tpu.region"() ({
      %run_scoped3A = tpu.sem_alloc : memref<!tpu.dma_semaphore, #tpu.memory_space<semaphore_mem>>
      %dma_start3A_193 = arith.constant 0 : i32
      %dma_start3A_194 = tpu.memref_slice %arg4[%add3A_17, %dma_start3A_193] : memref<65536x128xf32, #tpu.memory_space<hbm>> -> memref<128x128xf32, #tpu.memory_space<hbm>>
      %dma_start3A_195 = arith.constant 0 : i32
      %dma_start3A_196 = tpu.memref_slice %arg4[%add3A_17, %dma_start3A_195] : memref<65536x128xf32, #tpu.memory_space<hbm>> -> memref<128x128xf32, #tpu.memory_space<hbm>>
      tpu.enqueue_dma source(%arg6 : memref<128x128xf32, #tpu.memory_space<vmem>>) target(%dma_start3A_196 : memref<128x128xf32, #tpu.memory_space<hbm>>) target_semaphore(%run_scoped3A : memref<!tpu.dma_semaphore, #tpu.memory_space<semaphore_mem>>)
      %dma_wait3A_197 = arith.constant 0 : i32
      %dma_wait3A_198 = tpu.memref_slice %arg4[%add3A_17, %dma_wait3A_197] : memref<65536x128xf32, #tpu.memory_space<hbm>> -> memref<128x128xf32, #tpu.memory_space<hbm>>
      %dma_wait3A_199 = arith.constant 0 : i32
      %dma_wait3A_200 = tpu.memref_slice %arg4[%add3A_17, %dma_wait3A_199] : memref<65536x128xf32, #tpu.memory_space<hbm>> -> memref<128x128xf32, #tpu.memory_space<hbm>>
      tpu.wait_dma2 semaphore(%run_scoped3A : memref<!tpu.dma_semaphore, #tpu.memory_space<semaphore_mem>>) src(%arg6 : memref<128x128xf32, #tpu.memory_space<vmem>>) dst(%dma_wait3A_200 : memref<128x128xf32, #tpu.memory_space<hbm>>)
      tpu.yield
    }) : () -> ()
    %dma_start3A_18 = arith.constant 256 : i32
    %dma_start3A_19 = tpu.memref_slice %arg5[%dma_start3A_18] : memref<2048xi32, #tpu.memory_space<vmem>> -> memref<128xi32, #tpu.memory_space<vmem>>
    %dma_start3A_20 = arith.constant 0 : i32
    %dma_start3A_21 = arith.constant 0 : i32
    %dma_start3A_22 = tpu.memref_slice %arg2[%dma_start3A_20, %dma_start3A_21] : memref<1024x128xf32, #tpu.memory_space<hbm>> -> memref<1024x128xf32, #tpu.memory_space<hbm>>
    tpu.enqueue_indirect_dma source(%dma_start3A_22 : memref<1024x128xf32, #tpu.memory_space<hbm>>) target(%arg6 : memref<128x128xf32, #tpu.memory_space<vmem>>) offsets(%dma_start3A_19 : memref<128xi32, #tpu.memory_space<vmem>>) semaphore(%arg8 : memref<!tpu.dma_semaphore, #tpu.memory_space<semaphore_mem>>)
    %dma_wait3A_23 = arith.constant 128 : i32
    %dma_wait3A_24 = tpu.memref_slice %arg5[%dma_wait3A_23] : memref<2048xi32, #tpu.memory_space<vmem>> -> memref<128xi32, #tpu.memory_space<vmem>>
    %dma_wait3A_25 = arith.constant 0 : i32
    %dma_wait3A_26 = arith.constant 0 : i32
    %dma_wait3A_27 = tpu.memref_slice %arg2[%dma_wait3A_25, %dma_wait3A_26] : memref<1024x128xf32, #tpu.memory_space<hbm>> -> memref<1024x128xf32, #tpu.memory_space<hbm>>
    tpu.wait_indirect_dma semaphore(%arg9 : memref<!tpu.dma_semaphore, #tpu.memory_space<semaphore_mem>>) src(%dma_wait3A_27 : memref<1024x128xf32, #tpu.memory_space<hbm>>) dst(%arg7 : memref<128x128xf32, #tpu.memory_space<vmem>>)
    %add3A_28 = arith.constant 128 : i32
    %add3A_29 = arith.addi %mul3A_2, %add3A_28 : i32
    "tpu.region"() ({
      %run_scoped3A = tpu.sem_alloc : memref<!tpu.dma_semaphore, #tpu.memory_space<semaphore_mem>>
      %dma_start3A_193 = arith.constant 0 : i32
      %dma_start3A_194 = tpu.memref_slice %arg4[%add3A_29, %dma_start3A_193] : memref<65536x128xf32, #tpu.memory_space<hbm>> -> memref<128x128xf32, #tpu.memory_space<hbm>>
      %dma_start3A_195 = arith.constant 0 : i32
      %dma_start3A_196 = tpu.memref_slice %arg4[%add3A_29, %dma_start3A_195] : memref<65536x128xf32, #tpu.memory_space<hbm>> -> memref<128x128xf32, #tpu.memory_space<hbm>>
      tpu.enqueue_dma source(%arg7 : memref<128x128xf32, #tpu.memory_space<vmem>>) target(%dma_start3A_196 : memref<128x128xf32, #tpu.memory_space<hbm>>) target_semaphore(%run_scoped3A : memref<!tpu.dma_semaphore, #tpu.memory_space<semaphore_mem>>)
      %dma_wait3A_197 = arith.constant 0 : i32
      %dma_wait3A_198 = tpu.memref_slice %arg4[%add3A_29, %dma_wait3A_197] : memref<65536x128xf32, #tpu.memory_space<hbm>> -> memref<128x128xf32, #tpu.memory_space<hbm>>
      %dma_wait3A_199 = arith.constant 0 : i32
      %dma_wait3A_200 = tpu.memref_slice %arg4[%add3A_29, %dma_wait3A_199] : memref<65536x128xf32, #tpu.memory_space<hbm>> -> memref<128x128xf32, #tpu.memory_space<hbm>>
      tpu.wait_dma2 semaphore(%run_scoped3A : memref<!tpu.dma_semaphore, #tpu.memory_space<semaphore_mem>>) src(%arg7 : memref<128x128xf32, #tpu.memory_space<vmem>>) dst(%dma_wait3A_200 : memref<128x128xf32, #tpu.memory_space<hbm>>)
      tpu.yield
    }) : () -> ()
    %dma_start3A_30 = arith.constant 384 : i32
    %dma_start3A_31 = tpu.memref_slice %arg5[%dma_start3A_30] : memref<2048xi32, #tpu.memory_space<vmem>> -> memref<128xi32, #tpu.memory_space<vmem>>
    %dma_start3A_32 = arith.constant 0 : i32
    %dma_start3A_33 = arith.constant 0 : i32
    %dma_start3A_34 = tpu.memref_slice %arg2[%dma_start3A_32, %dma_start3A_33] : memref<1024x128xf32, #tpu.memory_space<hbm>> -> memref<1024x128xf32, #tpu.memory_space<hbm>>
    tpu.enqueue_indirect_dma source(%dma_start3A_34 : memref<1024x128xf32, #tpu.memory_space<hbm>>) target(%arg7 : memref<128x128xf32, #tpu.memory_space<vmem>>) offsets(%dma_start3A_31 : memref<128xi32, #tpu.memory_space<vmem>>) semaphore(%arg9 : memref<!tpu.dma_semaphore, #tpu.memory_space<semaphore_mem>>)
    %dma_wait3A_35 = arith.constant 256 : i32
    %dma_wait3A_36 = tpu.memref_slice %arg5[%dma_wait3A_35] : memref<2048xi32, #tpu.memory_space<vmem>> -> memref<128xi32, #tpu.memory_space<vmem>>
    %dma_wait3A_37 = arith.constant 0 : i32
    %dma_wait3A_38 = arith.constant 0 : i32
    %dma_wait3A_39 = tpu.memref_slice %arg2[%dma_wait3A_37, %dma_wait3A_38] : memref<1024x128xf32, #tpu.memory_space<hbm>> -> memref<1024x128xf32, #tpu.memory_space<hbm>>
    tpu.wait_indirect_dma semaphore(%arg8 : memref<!tpu.dma_semaphore, #tpu.memory_space<semaphore_mem>>) src(%dma_wait3A_39 : memref<1024x128xf32, #tpu.memory_space<hbm>>) dst(%arg6 : memref<128x128xf32, #tpu.memory_space<vmem>>)
    %add3A_40 = arith.constant 256 : i32
    %add3A_41 = arith.addi %mul3A_2, %add3A_40 : i32
    "tpu.region"() ({
      %run_scoped3A = tpu.sem_alloc : memref<!tpu.dma_semaphore, #tpu.memory_space<semaphore_mem>>
      %dma_start3A_193 = arith.constant 0 : i32
      %dma_start3A_194 = tpu.memref_slice %arg4[%add3A_41, %dma_start3A_193] : memref<65536x128xf32, #tpu.memory_space<hbm>> -> memref<128x128xf32, #tpu.memory_space<hbm>>
      %dma_start3A_195 = arith.constant 0 : i32
      %dma_start3A_196 = tpu.memref_slice %arg4[%add3A_41, %dma_start3A_195] : memref<65536x128xf32, #tpu.memory_space<hbm>> -> memref<128x128xf32, #tpu.memory_space<hbm>>
      tpu.enqueue_dma source(%arg6 : memref<128x128xf32, #tpu.memory_space<vmem>>) target(%dma_start3A_196 : memref<128x128xf32, #tpu.memory_space<hbm>>) target_semaphore(%run_scoped3A : memref<!tpu.dma_semaphore, #tpu.memory_space<semaphore_mem>>)
      %dma_wait3A_197 = arith.constant 0 : i32
      %dma_wait3A_198 = tpu.memref_slice %arg4[%add3A_41, %dma_wait3A_197] : memref<65536x128xf32, #tpu.memory_space<hbm>> -> memref<128x128xf32, #tpu.memory_space<hbm>>
      %dma_wait3A_199 = arith.constant 0 : i32
      %dma_wait3A_200 = tpu.memref_slice %arg4[%add3A_41, %dma_wait3A_199] : memref<65536x128xf32, #tpu.memory_space<hbm>> -> memref<128x128xf32, #tpu.memory_space<hbm>>
      tpu.wait_dma2 semaphore(%run_scoped3A : memref<!tpu.dma_semaphore, #tpu.memory_space<semaphore_mem>>) src(%arg6 : memref<128x128xf32, #tpu.memory_space<vmem>>) dst(%dma_wait3A_200 : memref<128x128xf32, #tpu.memory_space<hbm>>)
      tpu.yield
    }) : () -> ()
    %dma_start3A_42 = arith.constant 512 : i32
    %dma_start3A_43 = tpu.memref_slice %arg5[%dma_start3A_42] : memref<2048xi32, #tpu.memory_space<vmem>> -> memref<128xi32, #tpu.memory_space<vmem>>
    %dma_start3A_44 = arith.constant 0 : i32
    %dma_start3A_45 = arith.constant 0 : i32
    %dma_start3A_46 = tpu.memref_slice %arg2[%dma_start3A_44, %dma_start3A_45] : memref<1024x128xf32, #tpu.memory_space<hbm>> -> memref<1024x128xf32, #tpu.memory_space<hbm>>
    tpu.enqueue_indirect_dma source(%dma_start3A_46 : memref<1024x128xf32, #tpu.memory_space<hbm>>) target(%arg6 : memref<128x128xf32, #tpu.memory_space<vmem>>) offsets(%dma_start3A_43 : memref<128xi32, #tpu.memory_space<vmem>>) semaphore(%arg8 : memref<!tpu.dma_semaphore, #tpu.memory_space<semaphore_mem>>)
    %dma_wait3A_47 = arith.constant 384 : i32
    %dma_wait3A_48 = tpu.memref_slice %arg5[%dma_wait3A_47] : memref<2048xi32, #tpu.memory_space<vmem>> -> memref<128xi32, #tpu.memory_space<vmem>>
    %dma_wait3A_49 = arith.constant 0 : i32
    %dma_wait3A_50 = arith.constant 0 : i32
    %dma_wait3A_51 = tpu.memref_slice %arg2[%dma_wait3A_49, %dma_wait3A_50] : memref<1024x128xf32, #tpu.memory_space<hbm>> -> memref<1024x128xf32, #tpu.memory_space<hbm>>
    tpu.wait_indirect_dma semaphore(%arg9 : memref<!tpu.dma_semaphore, #tpu.memory_space<semaphore_mem>>) src(%dma_wait3A_51 : memref<1024x128xf32, #tpu.memory_space<hbm>>) dst(%arg7 : memref<128x128xf32, #tpu.memory_space<vmem>>)
    %add3A_52 = arith.constant 384 : i32
    %add3A_53 = arith.addi %mul3A_2, %add3A_52 : i32
    "tpu.region"() ({
      %run_scoped3A = tpu.sem_alloc : memref<!tpu.dma_semaphore, #tpu.memory_space<semaphore_mem>>
      %dma_start3A_193 = arith.constant 0 : i32
      %dma_start3A_194 = tpu.memref_slice %arg4[%add3A_53, %dma_start3A_193] : memref<65536x128xf32, #tpu.memory_space<hbm>> -> memref<128x128xf32, #tpu.memory_space<hbm>>
      %dma_start3A_195 = arith.constant 0 : i32
      %dma_start3A_196 = tpu.memref_slice %arg4[%add3A_53, %dma_start3A_195] : memref<65536x128xf32, #tpu.memory_space<hbm>> -> memref<128x128xf32, #tpu.memory_space<hbm>>
      tpu.enqueue_dma source(%arg7 : memref<128x128xf32, #tpu.memory_space<vmem>>) target(%dma_start3A_196 : memref<128x128xf32, #tpu.memory_space<hbm>>) target_semaphore(%run_scoped3A : memref<!tpu.dma_semaphore, #tpu.memory_space<semaphore_mem>>)
      %dma_wait3A_197 = arith.constant 0 : i32
      %dma_wait3A_198 = tpu.memref_slice %arg4[%add3A_53, %dma_wait3A_197] : memref<65536x128xf32, #tpu.memory_space<hbm>> -> memref<128x128xf32, #tpu.memory_space<hbm>>
      %dma_wait3A_199 = arith.constant 0 : i32
      %dma_wait3A_200 = tpu.memref_slice %arg4[%add3A_53, %dma_wait3A_199] : memref<65536x128xf32, #tpu.memory_space<hbm>> -> memref<128x128xf32, #tpu.memory_space<hbm>>
      tpu.wait_dma2 semaphore(%run_scoped3A : memref<!tpu.dma_semaphore, #tpu.memory_space<semaphore_mem>>) src(%arg7 : memref<128x128xf32, #tpu.memory_space<vmem>>) dst(%dma_wait3A_200 : memref<128x128xf32, #tpu.memory_space<hbm>>)
      tpu.yield
    }) : () -> ()
    %dma_start3A_54 = arith.constant 640 : i32
    %dma_start3A_55 = tpu.memref_slice %arg5[%dma_start3A_54] : memref<2048xi32, #tpu.memory_space<vmem>> -> memref<128xi32, #tpu.memory_space<vmem>>
    %dma_start3A_56 = arith.constant 0 : i32
    %dma_start3A_57 = arith.constant 0 : i32
    %dma_start3A_58 = tpu.memref_slice %arg2[%dma_start3A_56, %dma_start3A_57] : memref<1024x128xf32, #tpu.memory_space<hbm>> -> memref<1024x128xf32, #tpu.memory_space<hbm>>
    tpu.enqueue_indirect_dma source(%dma_start3A_58 : memref<1024x128xf32, #tpu.memory_space<hbm>>) target(%arg7 : memref<128x128xf32, #tpu.memory_space<vmem>>) offsets(%dma_start3A_55 : memref<128xi32, #tpu.memory_space<vmem>>) semaphore(%arg9 : memref<!tpu.dma_semaphore, #tpu.memory_space<semaphore_mem>>)
    %dma_wait3A_59 = arith.constant 512 : i32
    %dma_wait3A_60 = tpu.memref_slice %arg5[%dma_wait3A_59] : memref<2048xi32, #tpu.memory_space<vmem>> -> memref<128xi32, #tpu.memory_space<vmem>>
    %dma_wait3A_61 = arith.constant 0 : i32
    %dma_wait3A_62 = arith.constant 0 : i32
    %dma_wait3A_63 = tpu.memref_slice %arg2[%dma_wait3A_61, %dma_wait3A_62] : memref<1024x128xf32, #tpu.memory_space<hbm>> -> memref<1024x128xf32, #tpu.memory_space<hbm>>
    tpu.wait_indirect_dma semaphore(%arg8 : memref<!tpu.dma_semaphore, #tpu.memory_space<semaphore_mem>>) src(%dma_wait3A_63 : memref<1024x128xf32, #tpu.memory_space<hbm>>) dst(%arg6 : memref<128x128xf32, #tpu.memory_space<vmem>>)
    %add3A_64 = arith.constant 512 : i32
    %add3A_65 = arith.addi %mul3A_2, %add3A_64 : i32
    "tpu.region"() ({
      %run_scoped3A = tpu.sem_alloc : memref<!tpu.dma_semaphore, #tpu.memory_space<semaphore_mem>>
      %dma_start3A_193 = arith.constant 0 : i32
      %dma_start3A_194 = tpu.memref_slice %arg4[%add3A_65, %dma_start3A_193] : memref<65536x128xf32, #tpu.memory_space<hbm>> -> memref<128x128xf32, #tpu.memory_space<hbm>>
      %dma_start3A_195 = arith.constant 0 : i32
      %dma_start3A_196 = tpu.memref_slice %arg4[%add3A_65, %dma_start3A_195] : memref<65536x128xf32, #tpu.memory_space<hbm>> -> memref<128x128xf32, #tpu.memory_space<hbm>>
      tpu.enqueue_dma source(%arg6 : memref<128x128xf32, #tpu.memory_space<vmem>>) target(%dma_start3A_196 : memref<128x128xf32, #tpu.memory_space<hbm>>) target_semaphore(%run_scoped3A : memref<!tpu.dma_semaphore, #tpu.memory_space<semaphore_mem>>)
      %dma_wait3A_197 = arith.constant 0 : i32
      %dma_wait3A_198 = tpu.memref_slice %arg4[%add3A_65, %dma_wait3A_197] : memref<65536x128xf32, #tpu.memory_space<hbm>> -> memref<128x128xf32, #tpu.memory_space<hbm>>
      %dma_wait3A_199 = arith.constant 0 : i32
      %dma_wait3A_200 = tpu.memref_slice %arg4[%add3A_65, %dma_wait3A_199] : memref<65536x128xf32, #tpu.memory_space<hbm>> -> memref<128x128xf32, #tpu.memory_space<hbm>>
      tpu.wait_dma2 semaphore(%run_scoped3A : memref<!tpu.dma_semaphore, #tpu.memory_space<semaphore_mem>>) src(%arg6 : memref<128x128xf32, #tpu.memory_space<vmem>>) dst(%dma_wait3A_200 : memref<128x128xf32, #tpu.memory_space<hbm>>)
      tpu.yield
    }) : () -> ()
    %dma_start3A_66 = arith.constant 768 : i32
    %dma_start3A_67 = tpu.memref_slice %arg5[%dma_start3A_66] : memref<2048xi32, #tpu.memory_space<vmem>> -> memref<128xi32, #tpu.memory_space<vmem>>
    %dma_start3A_68 = arith.constant 0 : i32
    %dma_start3A_69 = arith.constant 0 : i32
    %dma_start3A_70 = tpu.memref_slice %arg2[%dma_start3A_68, %dma_start3A_69] : memref<1024x128xf32, #tpu.memory_space<hbm>> -> memref<1024x128xf32, #tpu.memory_space<hbm>>
    tpu.enqueue_indirect_dma source(%dma_start3A_70 : memref<1024x128xf32, #tpu.memory_space<hbm>>) target(%arg6 : memref<128x128xf32, #tpu.memory_space<vmem>>) offsets(%dma_start3A_67 : memref<128xi32, #tpu.memory_space<vmem>>) semaphore(%arg8 : memref<!tpu.dma_semaphore, #tpu.memory_space<semaphore_mem>>)
    %dma_wait3A_71 = arith.constant 640 : i32
    %dma_wait3A_72 = tpu.memref_slice %arg5[%dma_wait3A_71] : memref<2048xi32, #tpu.memory_space<vmem>> -> memref<128xi32, #tpu.memory_space<vmem>>
    %dma_wait3A_73 = arith.constant 0 : i32
    %dma_wait3A_74 = arith.constant 0 : i32
    %dma_wait3A_75 = tpu.memref_slice %arg2[%dma_wait3A_73, %dma_wait3A_74] : memref<1024x128xf32, #tpu.memory_space<hbm>> -> memref<1024x128xf32, #tpu.memory_space<hbm>>
    tpu.wait_indirect_dma semaphore(%arg9 : memref<!tpu.dma_semaphore, #tpu.memory_space<semaphore_mem>>) src(%dma_wait3A_75 : memref<1024x128xf32, #tpu.memory_space<hbm>>) dst(%arg7 : memref<128x128xf32, #tpu.memory_space<vmem>>)
    %add3A_76 = arith.constant 640 : i32
    %add3A_77 = arith.addi %mul3A_2, %add3A_76 : i32
    "tpu.region"() ({
      %run_scoped3A = tpu.sem_alloc : memref<!tpu.dma_semaphore, #tpu.memory_space<semaphore_mem>>
      %dma_start3A_193 = arith.constant 0 : i32
      %dma_start3A_194 = tpu.memref_slice %arg4[%add3A_77, %dma_start3A_193] : memref<65536x128xf32, #tpu.memory_space<hbm>> -> memref<128x128xf32, #tpu.memory_space<hbm>>
      %dma_start3A_195 = arith.constant 0 : i32
      %dma_start3A_196 = tpu.memref_slice %arg4[%add3A_77, %dma_start3A_195] : memref<65536x128xf32, #tpu.memory_space<hbm>> -> memref<128x128xf32, #tpu.memory_space<hbm>>
      tpu.enqueue_dma source(%arg7 : memref<128x128xf32, #tpu.memory_space<vmem>>) target(%dma_start3A_196 : memref<128x128xf32, #tpu.memory_space<hbm>>) target_semaphore(%run_scoped3A : memref<!tpu.dma_semaphore, #tpu.memory_space<semaphore_mem>>)
      %dma_wait3A_197 = arith.constant 0 : i32
      %dma_wait3A_198 = tpu.memref_slice %arg4[%add3A_77, %dma_wait3A_197] : memref<65536x128xf32, #tpu.memory_space<hbm>> -> memref<128x128xf32, #tpu.memory_space<hbm>>
      %dma_wait3A_199 = arith.constant 0 : i32
      %dma_wait3A_200 = tpu.memref_slice %arg4[%add3A_77, %dma_wait3A_199] : memref<65536x128xf32, #tpu.memory_space<hbm>> -> memref<128x128xf32, #tpu.memory_space<hbm>>
      tpu.wait_dma2 semaphore(%run_scoped3A : memref<!tpu.dma_semaphore, #tpu.memory_space<semaphore_mem>>) src(%arg7 : memref<128x128xf32, #tpu.memory_space<vmem>>) dst(%dma_wait3A_200 : memref<128x128xf32, #tpu.memory_space<hbm>>)
      tpu.yield
    }) : () -> ()
    %dma_start3A_78 = arith.constant 896 : i32
    %dma_start3A_79 = tpu.memref_slice %arg5[%dma_start3A_78] : memref<2048xi32, #tpu.memory_space<vmem>> -> memref<128xi32, #tpu.memory_space<vmem>>
    %dma_start3A_80 = arith.constant 0 : i32
    %dma_start3A_81 = arith.constant 0 : i32
    %dma_start3A_82 = tpu.memref_slice %arg2[%dma_start3A_80, %dma_start3A_81] : memref<1024x128xf32, #tpu.memory_space<hbm>> -> memref<1024x128xf32, #tpu.memory_space<hbm>>
    tpu.enqueue_indirect_dma source(%dma_start3A_82 : memref<1024x128xf32, #tpu.memory_space<hbm>>) target(%arg7 : memref<128x128xf32, #tpu.memory_space<vmem>>) offsets(%dma_start3A_79 : memref<128xi32, #tpu.memory_space<vmem>>) semaphore(%arg9 : memref<!tpu.dma_semaphore, #tpu.memory_space<semaphore_mem>>)
    %dma_wait3A_83 = arith.constant 768 : i32
    %dma_wait3A_84 = tpu.memref_slice %arg5[%dma_wait3A_83] : memref<2048xi32, #tpu.memory_space<vmem>> -> memref<128xi32, #tpu.memory_space<vmem>>
    %dma_wait3A_85 = arith.constant 0 : i32
    %dma_wait3A_86 = arith.constant 0 : i32
    %dma_wait3A_87 = tpu.memref_slice %arg2[%dma_wait3A_85, %dma_wait3A_86] : memref<1024x128xf32, #tpu.memory_space<hbm>> -> memref<1024x128xf32, #tpu.memory_space<hbm>>
    tpu.wait_indirect_dma semaphore(%arg8 : memref<!tpu.dma_semaphore, #tpu.memory_space<semaphore_mem>>) src(%dma_wait3A_87 : memref<1024x128xf32, #tpu.memory_space<hbm>>) dst(%arg6 : memref<128x128xf32, #tpu.memory_space<vmem>>)
    %add3A_88 = arith.constant 768 : i32
    %add3A_89 = arith.addi %mul3A_2, %add3A_88 : i32
    "tpu.region"() ({
      %run_scoped3A = tpu.sem_alloc : memref<!tpu.dma_semaphore, #tpu.memory_space<semaphore_mem>>
      %dma_start3A_193 = arith.constant 0 : i32
      %dma_start3A_194 = tpu.memref_slice %arg4[%add3A_89, %dma_start3A_193] : memref<65536x128xf32, #tpu.memory_space<hbm>> -> memref<128x128xf32, #tpu.memory_space<hbm>>
      %dma_start3A_195 = arith.constant 0 : i32
      %dma_start3A_196 = tpu.memref_slice %arg4[%add3A_89, %dma_start3A_195] : memref<65536x128xf32, #tpu.memory_space<hbm>> -> memref<128x128xf32, #tpu.memory_space<hbm>>
      tpu.enqueue_dma source(%arg6 : memref<128x128xf32, #tpu.memory_space<vmem>>) target(%dma_start3A_196 : memref<128x128xf32, #tpu.memory_space<hbm>>) target_semaphore(%run_scoped3A : memref<!tpu.dma_semaphore, #tpu.memory_space<semaphore_mem>>)
      %dma_wait3A_197 = arith.constant 0 : i32
      %dma_wait3A_198 = tpu.memref_slice %arg4[%add3A_89, %dma_wait3A_197] : memref<65536x128xf32, #tpu.memory_space<hbm>> -> memref<128x128xf32, #tpu.memory_space<hbm>>
      %dma_wait3A_199 = arith.constant 0 : i32
      %dma_wait3A_200 = tpu.memref_slice %arg4[%add3A_89, %dma_wait3A_199] : memref<65536x128xf32, #tpu.memory_space<hbm>> -> memref<128x128xf32, #tpu.memory_space<hbm>>
      tpu.wait_dma2 semaphore(%run_scoped3A : memref<!tpu.dma_semaphore, #tpu.memory_space<semaphore_mem>>) src(%arg6 : memref<128x128xf32, #tpu.memory_space<vmem>>) dst(%dma_wait3A_200 : memref<128x128xf32, #tpu.memory_space<hbm>>)
      tpu.yield
    }) : () -> ()
    %dma_start3A_90 = arith.constant 1024 : i32
    %dma_start3A_91 = tpu.memref_slice %arg5[%dma_start3A_90] : memref<2048xi32, #tpu.memory_space<vmem>> -> memref<128xi32, #tpu.memory_space<vmem>>
    %dma_start3A_92 = arith.constant 0 : i32
    %dma_start3A_93 = arith.constant 0 : i32
    %dma_start3A_94 = tpu.memref_slice %arg2[%dma_start3A_92, %dma_start3A_93] : memref<1024x128xf32, #tpu.memory_space<hbm>> -> memref<1024x128xf32, #tpu.memory_space<hbm>>
    tpu.enqueue_indirect_dma source(%dma_start3A_94 : memref<1024x128xf32, #tpu.memory_space<hbm>>) target(%arg6 : memref<128x128xf32, #tpu.memory_space<vmem>>) offsets(%dma_start3A_91 : memref<128xi32, #tpu.memory_space<vmem>>) semaphore(%arg8 : memref<!tpu.dma_semaphore, #tpu.memory_space<semaphore_mem>>)
    %dma_wait3A_95 = arith.constant 896 : i32
    %dma_wait3A_96 = tpu.memref_slice %arg5[%dma_wait3A_95] : memref<2048xi32, #tpu.memory_space<vmem>> -> memref<128xi32, #tpu.memory_space<vmem>>
    %dma_wait3A_97 = arith.constant 0 : i32
    %dma_wait3A_98 = arith.constant 0 : i32
    %dma_wait3A_99 = tpu.memref_slice %arg2[%dma_wait3A_97, %dma_wait3A_98] : memref<1024x128xf32, #tpu.memory_space<hbm>> -> memref<1024x128xf32, #tpu.memory_space<hbm>>
    tpu.wait_indirect_dma semaphore(%arg9 : memref<!tpu.dma_semaphore, #tpu.memory_space<semaphore_mem>>) src(%dma_wait3A_99 : memref<1024x128xf32, #tpu.memory_space<hbm>>) dst(%arg7 : memref<128x128xf32, #tpu.memory_space<vmem>>)
    %add3A_100 = arith.constant 896 : i32
    %add3A_101 = arith.addi %mul3A_2, %add3A_100 : i32
    "tpu.region"() ({
      %run_scoped3A = tpu.sem_alloc : memref<!tpu.dma_semaphore, #tpu.memory_space<semaphore_mem>>
      %dma_start3A_193 = arith.constant 0 : i32
      %dma_start3A_194 = tpu.memref_slice %arg4[%add3A_101, %dma_start3A_193] : memref<65536x128xf32, #tpu.memory_space<hbm>> -> memref<128x128xf32, #tpu.memory_space<hbm>>
      %dma_start3A_195 = arith.constant 0 : i32
      %dma_start3A_196 = tpu.memref_slice %arg4[%add3A_101, %dma_start3A_195] : memref<65536x128xf32, #tpu.memory_space<hbm>> -> memref<128x128xf32, #tpu.memory_space<hbm>>
      tpu.enqueue_dma source(%arg7 : memref<128x128xf32, #tpu.memory_space<vmem>>) target(%dma_start3A_196 : memref<128x128xf32, #tpu.memory_space<hbm>>) target_semaphore(%run_scoped3A : memref<!tpu.dma_semaphore, #tpu.memory_space<semaphore_mem>>)
      %dma_wait3A_197 = arith.constant 0 : i32
      %dma_wait3A_198 = tpu.memref_slice %arg4[%add3A_101, %dma_wait3A_197] : memref<65536x128xf32, #tpu.memory_space<hbm>> -> memref<128x128xf32, #tpu.memory_space<hbm>>
      %dma_wait3A_199 = arith.constant 0 : i32
      %dma_wait3A_200 = tpu.memref_slice %arg4[%add3A_101, %dma_wait3A_199] : memref<65536x128xf32, #tpu.memory_space<hbm>> -> memref<128x128xf32, #tpu.memory_space<hbm>>
      tpu.wait_dma2 semaphore(%run_scoped3A : memref<!tpu.dma_semaphore, #tpu.memory_space<semaphore_mem>>) src(%arg7 : memref<128x128xf32, #tpu.memory_space<vmem>>) dst(%dma_wait3A_200 : memref<128x128xf32, #tpu.memory_space<hbm>>)
      tpu.yield
    }) : () -> ()
    %dma_start3A_102 = arith.constant 1152 : i32
    %dma_start3A_103 = tpu.memref_slice %arg5[%dma_start3A_102] : memref<2048xi32, #tpu.memory_space<vmem>> -> memref<128xi32, #tpu.memory_space<vmem>>
    %dma_start3A_104 = arith.constant 0 : i32
    %dma_start3A_105 = arith.constant 0 : i32
    %dma_start3A_106 = tpu.memref_slice %arg2[%dma_start3A_104, %dma_start3A_105] : memref<1024x128xf32, #tpu.memory_space<hbm>> -> memref<1024x128xf32, #tpu.memory_space<hbm>>
    tpu.enqueue_indirect_dma source(%dma_start3A_106 : memref<1024x128xf32, #tpu.memory_space<hbm>>) target(%arg7 : memref<128x128xf32, #tpu.memory_space<vmem>>) offsets(%dma_start3A_103 : memref<128xi32, #tpu.memory_space<vmem>>) semaphore(%arg9 : memref<!tpu.dma_semaphore, #tpu.memory_space<semaphore_mem>>)
    %dma_wait3A_107 = arith.constant 1024 : i32
    %dma_wait3A_108 = tpu.memref_slice %arg5[%dma_wait3A_107] : memref<2048xi32, #tpu.memory_space<vmem>> -> memref<128xi32, #tpu.memory_space<vmem>>
    %dma_wait3A_109 = arith.constant 0 : i32
    %dma_wait3A_110 = arith.constant 0 : i32
    %dma_wait3A_111 = tpu.memref_slice %arg2[%dma_wait3A_109, %dma_wait3A_110] : memref<1024x128xf32, #tpu.memory_space<hbm>> -> memref<1024x128xf32, #tpu.memory_space<hbm>>
    tpu.wait_indirect_dma semaphore(%arg8 : memref<!tpu.dma_semaphore, #tpu.memory_space<semaphore_mem>>) src(%dma_wait3A_111 : memref<1024x128xf32, #tpu.memory_space<hbm>>) dst(%arg6 : memref<128x128xf32, #tpu.memory_space<vmem>>)
    %add3A_112 = arith.constant 1024 : i32
    %add3A_113 = arith.addi %mul3A_2, %add3A_112 : i32
    "tpu.region"() ({
      %run_scoped3A = tpu.sem_alloc : memref<!tpu.dma_semaphore, #tpu.memory_space<semaphore_mem>>
      %dma_start3A_193 = arith.constant 0 : i32
      %dma_start3A_194 = tpu.memref_slice %arg4[%add3A_113, %dma_start3A_193] : memref<65536x128xf32, #tpu.memory_space<hbm>> -> memref<128x128xf32, #tpu.memory_space<hbm>>
      %dma_start3A_195 = arith.constant 0 : i32
      %dma_start3A_196 = tpu.memref_slice %arg4[%add3A_113, %dma_start3A_195] : memref<65536x128xf32, #tpu.memory_space<hbm>> -> memref<128x128xf32, #tpu.memory_space<hbm>>
      tpu.enqueue_dma source(%arg6 : memref<128x128xf32, #tpu.memory_space<vmem>>) target(%dma_start3A_196 : memref<128x128xf32, #tpu.memory_space<hbm>>) target_semaphore(%run_scoped3A : memref<!tpu.dma_semaphore, #tpu.memory_space<semaphore_mem>>)
      %dma_wait3A_197 = arith.constant 0 : i32
      %dma_wait3A_198 = tpu.memref_slice %arg4[%add3A_113, %dma_wait3A_197] : memref<65536x128xf32, #tpu.memory_space<hbm>> -> memref<128x128xf32, #tpu.memory_space<hbm>>
      %dma_wait3A_199 = arith.constant 0 : i32
      %dma_wait3A_200 = tpu.memref_slice %arg4[%add3A_113, %dma_wait3A_199] : memref<65536x128xf32, #tpu.memory_space<hbm>> -> memref<128x128xf32, #tpu.memory_space<hbm>>
      tpu.wait_dma2 semaphore(%run_scoped3A : memref<!tpu.dma_semaphore, #tpu.memory_space<semaphore_mem>>) src(%arg6 : memref<128x128xf32, #tpu.memory_space<vmem>>) dst(%dma_wait3A_200 : memref<128x128xf32, #tpu.memory_space<hbm>>)
      tpu.yield
    }) : () -> ()
    %dma_start3A_114 = arith.constant 1280 : i32
    %dma_start3A_115 = tpu.memref_slice %arg5[%dma_start3A_114] : memref<2048xi32, #tpu.memory_space<vmem>> -> memref<128xi32, #tpu.memory_space<vmem>>
    %dma_start3A_116 = arith.constant 0 : i32
    %dma_start3A_117 = arith.constant 0 : i32
    %dma_start3A_118 = tpu.memref_slice %arg2[%dma_start3A_116, %dma_start3A_117] : memref<1024x128xf32, #tpu.memory_space<hbm>> -> memref<1024x128xf32, #tpu.memory_space<hbm>>
    tpu.enqueue_indirect_dma source(%dma_start3A_118 : memref<1024x128xf32, #tpu.memory_space<hbm>>) target(%arg6 : memref<128x128xf32, #tpu.memory_space<vmem>>) offsets(%dma_start3A_115 : memref<128xi32, #tpu.memory_space<vmem>>) semaphore(%arg8 : memref<!tpu.dma_semaphore, #tpu.memory_space<semaphore_mem>>)
    %dma_wait3A_119 = arith.constant 1152 : i32
    %dma_wait3A_120 = tpu.memref_slice %arg5[%dma_wait3A_119] : memref<2048xi32, #tpu.memory_space<vmem>> -> memref<128xi32, #tpu.memory_space<vmem>>
    %dma_wait3A_121 = arith.constant 0 : i32
    %dma_wait3A_122 = arith.constant 0 : i32
    %dma_wait3A_123 = tpu.memref_slice %arg2[%dma_wait3A_121, %dma_wait3A_122] : memref<1024x128xf32, #tpu.memory_space<hbm>> -> memref<1024x128xf32, #tpu.memory_space<hbm>>
    tpu.wait_indirect_dma semaphore(%arg9 : memref<!tpu.dma_semaphore, #tpu.memory_space<semaphore_mem>>) src(%dma_wait3A_123 : memref<1024x128xf32, #tpu.memory_space<hbm>>) dst(%arg7 : memref<128x128xf32, #tpu.memory_space<vmem>>)
    %add3A_124 = arith.constant 1152 : i32
    %add3A_125 = arith.addi %mul3A_2, %add3A_124 : i32
    "tpu.region"() ({
      %run_scoped3A = tpu.sem_alloc : memref<!tpu.dma_semaphore, #tpu.memory_space<semaphore_mem>>
      %dma_start3A_193 = arith.constant 0 : i32
      %dma_start3A_194 = tpu.memref_slice %arg4[%add3A_125, %dma_start3A_193] : memref<65536x128xf32, #tpu.memory_space<hbm>> -> memref<128x128xf32, #tpu.memory_space<hbm>>
      %dma_start3A_195 = arith.constant 0 : i32
      %dma_start3A_196 = tpu.memref_slice %arg4[%add3A_125, %dma_start3A_195] : memref<65536x128xf32, #tpu.memory_space<hbm>> -> memref<128x128xf32, #tpu.memory_space<hbm>>
      tpu.enqueue_dma source(%arg7 : memref<128x128xf32, #tpu.memory_space<vmem>>) target(%dma_start3A_196 : memref<128x128xf32, #tpu.memory_space<hbm>>) target_semaphore(%run_scoped3A : memref<!tpu.dma_semaphore, #tpu.memory_space<semaphore_mem>>)
      %dma_wait3A_197 = arith.constant 0 : i32
      %dma_wait3A_198 = tpu.memref_slice %arg4[%add3A_125, %dma_wait3A_197] : memref<65536x128xf32, #tpu.memory_space<hbm>> -> memref<128x128xf32, #tpu.memory_space<hbm>>
      %dma_wait3A_199 = arith.constant 0 : i32
      %dma_wait3A_200 = tpu.memref_slice %arg4[%add3A_125, %dma_wait3A_199] : memref<65536x128xf32, #tpu.memory_space<hbm>> -> memref<128x128xf32, #tpu.memory_space<hbm>>
      tpu.wait_dma2 semaphore(%run_scoped3A : memref<!tpu.dma_semaphore, #tpu.memory_space<semaphore_mem>>) src(%arg7 : memref<128x128xf32, #tpu.memory_space<vmem>>) dst(%dma_wait3A_200 : memref<128x128xf32, #tpu.memory_space<hbm>>)
      tpu.yield
    }) : () -> ()
    %dma_start3A_126 = arith.constant 1408 : i32
    %dma_start3A_127 = tpu.memref_slice %arg5[%dma_start3A_126] : memref<2048xi32, #tpu.memory_space<vmem>> -> memref<128xi32, #tpu.memory_space<vmem>>
    %dma_start3A_128 = arith.constant 0 : i32
    %dma_start3A_129 = arith.constant 0 : i32
    %dma_start3A_130 = tpu.memref_slice %arg2[%dma_start3A_128, %dma_start3A_129] : memref<1024x128xf32, #tpu.memory_space<hbm>> -> memref<1024x128xf32, #tpu.memory_space<hbm>>
    tpu.enqueue_indirect_dma source(%dma_start3A_130 : memref<1024x128xf32, #tpu.memory_space<hbm>>) target(%arg7 : memref<128x128xf32, #tpu.memory_space<vmem>>) offsets(%dma_start3A_127 : memref<128xi32, #tpu.memory_space<vmem>>) semaphore(%arg9 : memref<!tpu.dma_semaphore, #tpu.memory_space<semaphore_mem>>)
    %dma_wait3A_131 = arith.constant 1280 : i32
    %dma_wait3A_132 = tpu.memref_slice %arg5[%dma_wait3A_131] : memref<2048xi32, #tpu.memory_space<vmem>> -> memref<128xi32, #tpu.memory_space<vmem>>
    %dma_wait3A_133 = arith.constant 0 : i32
    %dma_wait3A_134 = arith.constant 0 : i32
    %dma_wait3A_135 = tpu.memref_slice %arg2[%dma_wait3A_133, %dma_wait3A_134] : memref<1024x128xf32, #tpu.memory_space<hbm>> -> memref<1024x128xf32, #tpu.memory_space<hbm>>
    tpu.wait_indirect_dma semaphore(%arg8 : memref<!tpu.dma_semaphore, #tpu.memory_space<semaphore_mem>>) src(%dma_wait3A_135 : memref<1024x128xf32, #tpu.memory_space<hbm>>) dst(%arg6 : memref<128x128xf32, #tpu.memory_space<vmem>>)
    %add3A_136 = arith.constant 1280 : i32
    %add3A_137 = arith.addi %mul3A_2, %add3A_136 : i32
    "tpu.region"() ({
      %run_scoped3A = tpu.sem_alloc : memref<!tpu.dma_semaphore, #tpu.memory_space<semaphore_mem>>
      %dma_start3A_193 = arith.constant 0 : i32
      %dma_start3A_194 = tpu.memref_slice %arg4[%add3A_137, %dma_start3A_193] : memref<65536x128xf32, #tpu.memory_space<hbm>> -> memref<128x128xf32, #tpu.memory_space<hbm>>
      %dma_start3A_195 = arith.constant 0 : i32
      %dma_start3A_196 = tpu.memref_slice %arg4[%add3A_137, %dma_start3A_195] : memref<65536x128xf32, #tpu.memory_space<hbm>> -> memref<128x128xf32, #tpu.memory_space<hbm>>
      tpu.enqueue_dma source(%arg6 : memref<128x128xf32, #tpu.memory_space<vmem>>) target(%dma_start3A_196 : memref<128x128xf32, #tpu.memory_space<hbm>>) target_semaphore(%run_scoped3A : memref<!tpu.dma_semaphore, #tpu.memory_space<semaphore_mem>>)
      %dma_wait3A_197 = arith.constant 0 : i32
      %dma_wait3A_198 = tpu.memref_slice %arg4[%add3A_137, %dma_wait3A_197] : memref<65536x128xf32, #tpu.memory_space<hbm>> -> memref<128x128xf32, #tpu.memory_space<hbm>>
      %dma_wait3A_199 = arith.constant 0 : i32
      %dma_wait3A_200 = tpu.memref_slice %arg4[%add3A_137, %dma_wait3A_199] : memref<65536x128xf32, #tpu.memory_space<hbm>> -> memref<128x128xf32, #tpu.memory_space<hbm>>
      tpu.wait_dma2 semaphore(%run_scoped3A : memref<!tpu.dma_semaphore, #tpu.memory_space<semaphore_mem>>) src(%arg6 : memref<128x128xf32, #tpu.memory_space<vmem>>) dst(%dma_wait3A_200 : memref<128x128xf32, #tpu.memory_space<hbm>>)
      tpu.yield
    }) : () -> ()
    %dma_start3A_138 = arith.constant 1536 : i32
    %dma_start3A_139 = tpu.memref_slice %arg5[%dma_start3A_138] : memref<2048xi32, #tpu.memory_space<vmem>> -> memref<128xi32, #tpu.memory_space<vmem>>
    %dma_start3A_140 = arith.constant 0 : i32
    %dma_start3A_141 = arith.constant 0 : i32
    %dma_start3A_142 = tpu.memref_slice %arg2[%dma_start3A_140, %dma_start3A_141] : memref<1024x128xf32, #tpu.memory_space<hbm>> -> memref<1024x128xf32, #tpu.memory_space<hbm>>
    tpu.enqueue_indirect_dma source(%dma_start3A_142 : memref<1024x128xf32, #tpu.memory_space<hbm>>) target(%arg6 : memref<128x128xf32, #tpu.memory_space<vmem>>) offsets(%dma_start3A_139 : memref<128xi32, #tpu.memory_space<vmem>>) semaphore(%arg8 : memref<!tpu.dma_semaphore, #tpu.memory_space<semaphore_mem>>)
    %dma_wait3A_143 = arith.constant 1408 : i32
    %dma_wait3A_144 = tpu.memref_slice %arg5[%dma_wait3A_143] : memref<2048xi32, #tpu.memory_space<vmem>> -> memref<128xi32, #tpu.memory_space<vmem>>
    %dma_wait3A_145 = arith.constant 0 : i32
    %dma_wait3A_146 = arith.constant 0 : i32
    %dma_wait3A_147 = tpu.memref_slice %arg2[%dma_wait3A_145, %dma_wait3A_146] : memref<1024x128xf32, #tpu.memory_space<hbm>> -> memref<1024x128xf32, #tpu.memory_space<hbm>>
    tpu.wait_indirect_dma semaphore(%arg9 : memref<!tpu.dma_semaphore, #tpu.memory_space<semaphore_mem>>) src(%dma_wait3A_147 : memref<1024x128xf32, #tpu.memory_space<hbm>>) dst(%arg7 : memref<128x128xf32, #tpu.memory_space<vmem>>)
    %add3A_148 = arith.constant 1408 : i32
    %add3A_149 = arith.addi %mul3A_2, %add3A_148 : i32
    "tpu.region"() ({
      %run_scoped3A = tpu.sem_alloc : memref<!tpu.dma_semaphore, #tpu.memory_space<semaphore_mem>>
      %dma_start3A_193 = arith.constant 0 : i32
      %dma_start3A_194 = tpu.memref_slice %arg4[%add3A_149, %dma_start3A_193] : memref<65536x128xf32, #tpu.memory_space<hbm>> -> memref<128x128xf32, #tpu.memory_space<hbm>>
      %dma_start3A_195 = arith.constant 0 : i32
      %dma_start3A_196 = tpu.memref_slice %arg4[%add3A_149, %dma_start3A_195] : memref<65536x128xf32, #tpu.memory_space<hbm>> -> memref<128x128xf32, #tpu.memory_space<hbm>>
      tpu.enqueue_dma source(%arg7 : memref<128x128xf32, #tpu.memory_space<vmem>>) target(%dma_start3A_196 : memref<128x128xf32, #tpu.memory_space<hbm>>) target_semaphore(%run_scoped3A : memref<!tpu.dma_semaphore, #tpu.memory_space<semaphore_mem>>)
      %dma_wait3A_197 = arith.constant 0 : i32
      %dma_wait3A_198 = tpu.memref_slice %arg4[%add3A_149, %dma_wait3A_197] : memref<65536x128xf32, #tpu.memory_space<hbm>> -> memref<128x128xf32, #tpu.memory_space<hbm>>
      %dma_wait3A_199 = arith.constant 0 : i32
      %dma_wait3A_200 = tpu.memref_slice %arg4[%add3A_149, %dma_wait3A_199] : memref<65536x128xf32, #tpu.memory_space<hbm>> -> memref<128x128xf32, #tpu.memory_space<hbm>>
      tpu.wait_dma2 semaphore(%run_scoped3A : memref<!tpu.dma_semaphore, #tpu.memory_space<semaphore_mem>>) src(%arg7 : memref<128x128xf32, #tpu.memory_space<vmem>>) dst(%dma_wait3A_200 : memref<128x128xf32, #tpu.memory_space<hbm>>)
      tpu.yield
    }) : () -> ()
    %dma_start3A_150 = arith.constant 1664 : i32
    %dma_start3A_151 = tpu.memref_slice %arg5[%dma_start3A_150] : memref<2048xi32, #tpu.memory_space<vmem>> -> memref<128xi32, #tpu.memory_space<vmem>>
    %dma_start3A_152 = arith.constant 0 : i32
    %dma_start3A_153 = arith.constant 0 : i32
    %dma_start3A_154 = tpu.memref_slice %arg2[%dma_start3A_152, %dma_start3A_153] : memref<1024x128xf32, #tpu.memory_space<hbm>> -> memref<1024x128xf32, #tpu.memory_space<hbm>>
    tpu.enqueue_indirect_dma source(%dma_start3A_154 : memref<1024x128xf32, #tpu.memory_space<hbm>>) target(%arg7 : memref<128x128xf32, #tpu.memory_space<vmem>>) offsets(%dma_start3A_151 : memref<128xi32, #tpu.memory_space<vmem>>) semaphore(%arg9 : memref<!tpu.dma_semaphore, #tpu.memory_space<semaphore_mem>>)
    %dma_wait3A_155 = arith.constant 1536 : i32
    %dma_wait3A_156 = tpu.memref_slice %arg5[%dma_wait3A_155] : memref<2048xi32, #tpu.memory_space<vmem>> -> memref<128xi32, #tpu.memory_space<vmem>>
    %dma_wait3A_157 = arith.constant 0 : i32
    %dma_wait3A_158 = arith.constant 0 : i32
    %dma_wait3A_159 = tpu.memref_slice %arg2[%dma_wait3A_157, %dma_wait3A_158] : memref<1024x128xf32, #tpu.memory_space<hbm>> -> memref<1024x128xf32, #tpu.memory_space<hbm>>
    tpu.wait_indirect_dma semaphore(%arg8 : memref<!tpu.dma_semaphore, #tpu.memory_space<semaphore_mem>>) src(%dma_wait3A_159 : memref<1024x128xf32, #tpu.memory_space<hbm>>) dst(%arg6 : memref<128x128xf32, #tpu.memory_space<vmem>>)
    %add3A_160 = arith.constant 1536 : i32
    %add3A_161 = arith.addi %mul3A_2, %add3A_160 : i32
    "tpu.region"() ({
      %run_scoped3A = tpu.sem_alloc : memref<!tpu.dma_semaphore, #tpu.memory_space<semaphore_mem>>
      %dma_start3A_193 = arith.constant 0 : i32
      %dma_start3A_194 = tpu.memref_slice %arg4[%add3A_161, %dma_start3A_193] : memref<65536x128xf32, #tpu.memory_space<hbm>> -> memref<128x128xf32, #tpu.memory_space<hbm>>
      %dma_start3A_195 = arith.constant 0 : i32
      %dma_start3A_196 = tpu.memref_slice %arg4[%add3A_161, %dma_start3A_195] : memref<65536x128xf32, #tpu.memory_space<hbm>> -> memref<128x128xf32, #tpu.memory_space<hbm>>
      tpu.enqueue_dma source(%arg6 : memref<128x128xf32, #tpu.memory_space<vmem>>) target(%dma_start3A_196 : memref<128x128xf32, #tpu.memory_space<hbm>>) target_semaphore(%run_scoped3A : memref<!tpu.dma_semaphore, #tpu.memory_space<semaphore_mem>>)
      %dma_wait3A_197 = arith.constant 0 : i32
      %dma_wait3A_198 = tpu.memref_slice %arg4[%add3A_161, %dma_wait3A_197] : memref<65536x128xf32, #tpu.memory_space<hbm>> -> memref<128x128xf32, #tpu.memory_space<hbm>>
      %dma_wait3A_199 = arith.constant 0 : i32
      %dma_wait3A_200 = tpu.memref_slice %arg4[%add3A_161, %dma_wait3A_199] : memref<65536x128xf32, #tpu.memory_space<hbm>> -> memref<128x128xf32, #tpu.memory_space<hbm>>
      tpu.wait_dma2 semaphore(%run_scoped3A : memref<!tpu.dma_semaphore, #tpu.memory_space<semaphore_mem>>) src(%arg6 : memref<128x128xf32, #tpu.memory_space<vmem>>) dst(%dma_wait3A_200 : memref<128x128xf32, #tpu.memory_space<hbm>>)
      tpu.yield
    }) : () -> ()
    %dma_start3A_162 = arith.constant 1792 : i32
    %dma_start3A_163 = tpu.memref_slice %arg5[%dma_start3A_162] : memref<2048xi32, #tpu.memory_space<vmem>> -> memref<128xi32, #tpu.memory_space<vmem>>
    %dma_start3A_164 = arith.constant 0 : i32
    %dma_start3A_165 = arith.constant 0 : i32
    %dma_start3A_166 = tpu.memref_slice %arg2[%dma_start3A_164, %dma_start3A_165] : memref<1024x128xf32, #tpu.memory_space<hbm>> -> memref<1024x128xf32, #tpu.memory_space<hbm>>
    tpu.enqueue_indirect_dma source(%dma_start3A_166 : memref<1024x128xf32, #tpu.memory_space<hbm>>) target(%arg6 : memref<128x128xf32, #tpu.memory_space<vmem>>) offsets(%dma_start3A_163 : memref<128xi32, #tpu.memory_space<vmem>>) semaphore(%arg8 : memref<!tpu.dma_semaphore, #tpu.memory_space<semaphore_mem>>)
    %dma_wait3A_167 = arith.constant 1664 : i32
    %dma_wait3A_168 = tpu.memref_slice %arg5[%dma_wait3A_167] : memref<2048xi32, #tpu.memory_space<vmem>> -> memref<128xi32, #tpu.memory_space<vmem>>
    %dma_wait3A_169 = arith.constant 0 : i32
    %dma_wait3A_170 = arith.constant 0 : i32
    %dma_wait3A_171 = tpu.memref_slice %arg2[%dma_wait3A_169, %dma_wait3A_170] : memref<1024x128xf32, #tpu.memory_space<hbm>> -> memref<1024x128xf32, #tpu.memory_space<hbm>>
    tpu.wait_indirect_dma semaphore(%arg9 : memref<!tpu.dma_semaphore, #tpu.memory_space<semaphore_mem>>) src(%dma_wait3A_171 : memref<1024x128xf32, #tpu.memory_space<hbm>>) dst(%arg7 : memref<128x128xf32, #tpu.memory_space<vmem>>)
    %add3A_172 = arith.constant 1664 : i32
    %add3A_173 = arith.addi %mul3A_2, %add3A_172 : i32
    "tpu.region"() ({
      %run_scoped3A = tpu.sem_alloc : memref<!tpu.dma_semaphore, #tpu.memory_space<semaphore_mem>>
      %dma_start3A_193 = arith.constant 0 : i32
      %dma_start3A_194 = tpu.memref_slice %arg4[%add3A_173, %dma_start3A_193] : memref<65536x128xf32, #tpu.memory_space<hbm>> -> memref<128x128xf32, #tpu.memory_space<hbm>>
      %dma_start3A_195 = arith.constant 0 : i32
      %dma_start3A_196 = tpu.memref_slice %arg4[%add3A_173, %dma_start3A_195] : memref<65536x128xf32, #tpu.memory_space<hbm>> -> memref<128x128xf32, #tpu.memory_space<hbm>>
      tpu.enqueue_dma source(%arg7 : memref<128x128xf32, #tpu.memory_space<vmem>>) target(%dma_start3A_196 : memref<128x128xf32, #tpu.memory_space<hbm>>) target_semaphore(%run_scoped3A : memref<!tpu.dma_semaphore, #tpu.memory_space<semaphore_mem>>)
      %dma_wait3A_197 = arith.constant 0 : i32
      %dma_wait3A_198 = tpu.memref_slice %arg4[%add3A_173, %dma_wait3A_197] : memref<65536x128xf32, #tpu.memory_space<hbm>> -> memref<128x128xf32, #tpu.memory_space<hbm>>
      %dma_wait3A_199 = arith.constant 0 : i32
      %dma_wait3A_200 = tpu.memref_slice %arg4[%add3A_173, %dma_wait3A_199] : memref<65536x128xf32, #tpu.memory_space<hbm>> -> memref<128x128xf32, #tpu.memory_space<hbm>>
      tpu.wait_dma2 semaphore(%run_scoped3A : memref<!tpu.dma_semaphore, #tpu.memory_space<semaphore_mem>>) src(%arg7 : memref<128x128xf32, #tpu.memory_space<vmem>>) dst(%dma_wait3A_200 : memref<128x128xf32, #tpu.memory_space<hbm>>)
      tpu.yield
    }) : () -> ()
    %dma_start3A_174 = arith.constant 1920 : i32
    %dma_start3A_175 = tpu.memref_slice %arg5[%dma_start3A_174] : memref<2048xi32, #tpu.memory_space<vmem>> -> memref<128xi32, #tpu.memory_space<vmem>>
    %dma_start3A_176 = arith.constant 0 : i32
    %dma_start3A_177 = arith.constant 0 : i32
    %dma_start3A_178 = tpu.memref_slice %arg2[%dma_start3A_176, %dma_start3A_177] : memref<1024x128xf32, #tpu.memory_space<hbm>> -> memref<1024x128xf32, #tpu.memory_space<hbm>>
    tpu.enqueue_indirect_dma source(%dma_start3A_178 : memref<1024x128xf32, #tpu.memory_space<hbm>>) target(%arg7 : memref<128x128xf32, #tpu.memory_space<vmem>>) offsets(%dma_start3A_175 : memref<128xi32, #tpu.memory_space<vmem>>) semaphore(%arg9 : memref<!tpu.dma_semaphore, #tpu.memory_space<semaphore_mem>>)
    %dma_wait3A_179 = arith.constant 1792 : i32
    %dma_wait3A_180 = tpu.memref_slice %arg5[%dma_wait3A_179] : memref<2048xi32, #tpu.memory_space<vmem>> -> memref<128xi32, #tpu.memory_space<vmem>>
    %dma_wait3A_181 = arith.constant 0 : i32
    %dma_wait3A_182 = arith.constant 0 : i32
    %dma_wait3A_183 = tpu.memref_slice %arg2[%dma_wait3A_181, %dma_wait3A_182] : memref<1024x128xf32, #tpu.memory_space<hbm>> -> memref<1024x128xf32, #tpu.memory_space<hbm>>
    tpu.wait_indirect_dma semaphore(%arg8 : memref<!tpu.dma_semaphore, #tpu.memory_space<semaphore_mem>>) src(%dma_wait3A_183 : memref<1024x128xf32, #tpu.memory_space<hbm>>) dst(%arg6 : memref<128x128xf32, #tpu.memory_space<vmem>>)
    %add3A_184 = arith.constant 1792 : i32
    %add3A_185 = arith.addi %mul3A_2, %add3A_184 : i32
    "tpu.region"() ({
      %run_scoped3A = tpu.sem_alloc : memref<!tpu.dma_semaphore, #tpu.memory_space<semaphore_mem>>
      %dma_start3A_193 = arith.constant 0 : i32
      %dma_start3A_194 = tpu.memref_slice %arg4[%add3A_185, %dma_start3A_193] : memref<65536x128xf32, #tpu.memory_space<hbm>> -> memref<128x128xf32, #tpu.memory_space<hbm>>
      %dma_start3A_195 = arith.constant 0 : i32
      %dma_start3A_196 = tpu.memref_slice %arg4[%add3A_185, %dma_start3A_195] : memref<65536x128xf32, #tpu.memory_space<hbm>> -> memref<128x128xf32, #tpu.memory_space<hbm>>
      tpu.enqueue_dma source(%arg6 : memref<128x128xf32, #tpu.memory_space<vmem>>) target(%dma_start3A_196 : memref<128x128xf32, #tpu.memory_space<hbm>>) target_semaphore(%run_scoped3A : memref<!tpu.dma_semaphore, #tpu.memory_space<semaphore_mem>>)
      %dma_wait3A_197 = arith.constant 0 : i32
      %dma_wait3A_198 = tpu.memref_slice %arg4[%add3A_185, %dma_wait3A_197] : memref<65536x128xf32, #tpu.memory_space<hbm>> -> memref<128x128xf32, #tpu.memory_space<hbm>>
      %dma_wait3A_199 = arith.constant 0 : i32
      %dma_wait3A_200 = tpu.memref_slice %arg4[%add3A_185, %dma_wait3A_199] : memref<65536x128xf32, #tpu.memory_space<hbm>> -> memref<128x128xf32, #tpu.memory_space<hbm>>
      tpu.wait_dma2 semaphore(%run_scoped3A : memref<!tpu.dma_semaphore, #tpu.memory_space<semaphore_mem>>) src(%arg6 : memref<128x128xf32, #tpu.memory_space<vmem>>) dst(%dma_wait3A_200 : memref<128x128xf32, #tpu.memory_space<hbm>>)
      tpu.yield
    }) : () -> ()
    %dma_wait3A_186 = arith.constant 1920 : i32
    %dma_wait3A_187 = tpu.memref_slice %arg5[%dma_wait3A_186] : memref<2048xi32, #tpu.memory_space<vmem>> -> memref<128xi32, #tpu.memory_space<vmem>>
    %dma_wait3A_188 = arith.constant 0 : i32
    %dma_wait3A_189 = arith.constant 0 : i32
    %dma_wait3A_190 = tpu.memref_slice %arg2[%dma_wait3A_188, %dma_wait3A_189] : memref<1024x128xf32, #tpu.memory_space<hbm>> -> memref<1024x128xf32, #tpu.memory_space<hbm>>
    tpu.wait_indirect_dma semaphore(%arg9 : memref<!tpu.dma_semaphore, #tpu.memory_space<semaphore_mem>>) src(%dma_wait3A_190 : memref<1024x128xf32, #tpu.memory_space<hbm>>) dst(%arg7 : memref<128x128xf32, #tpu.memory_space<vmem>>)
    %add3A_191 = arith.constant 1920 : i32
    %add3A_192 = arith.addi %mul3A_2, %add3A_191 : i32
    "tpu.region"() ({
      %run_scoped3A = tpu.sem_alloc : memref<!tpu.dma_semaphore, #tpu.memory_space<semaphore_mem>>
      %dma_start3A_193 = arith.constant 0 : i32
      %dma_start3A_194 = tpu.memref_slice %arg4[%add3A_192, %dma_start3A_193] : memref<65536x128xf32, #tpu.memory_space<hbm>> -> memref<128x128xf32, #tpu.memory_space<hbm>>
      %dma_start3A_195 = arith.constant 0 : i32
      %dma_start3A_196 = tpu.memref_slice %arg4[%add3A_192, %dma_start3A_195] : memref<65536x128xf32, #tpu.memory_space<hbm>> -> memref<128x128xf32, #tpu.memory_space<hbm>>
      tpu.enqueue_dma source(%arg7 : memref<128x128xf32, #tpu.memory_space<vmem>>) target(%dma_start3A_196 : memref<128x128xf32, #tpu.memory_space<hbm>>) target_semaphore(%run_scoped3A : memref<!tpu.dma_semaphore, #tpu.memory_space<semaphore_mem>>)
      %dma_wait3A_197 = arith.constant 0 : i32
      %dma_wait3A_198 = tpu.memref_slice %arg4[%add3A_192, %dma_wait3A_197] : memref<65536x128xf32, #tpu.memory_space<hbm>> -> memref<128x128xf32, #tpu.memory_space<hbm>>
      %dma_wait3A_199 = arith.constant 0 : i32
      %dma_wait3A_200 = tpu.memref_slice %arg4[%add3A_192, %dma_wait3A_199] : memref<65536x128xf32, #tpu.memory_space<hbm>> -> memref<128x128xf32, #tpu.memory_space<hbm>>
      tpu.wait_dma2 semaphore(%run_scoped3A : memref<!tpu.dma_semaphore, #tpu.memory_space<semaphore_mem>>) src(%arg7 : memref<128x128xf32, #tpu.memory_space<vmem>>) dst(%dma_wait3A_200 : memref<128x128xf32, #tpu.memory_space<hbm>>)
      tpu.yield
    }) : () -> ()
    return
  }
}

module attributes {stable_mosaic.version = 14 : i64} {
  func.func @_dist_argmin_body(%arg0: i32, %arg1: memref<1x64x64x64xf32, #tpu.memory_space<vmem>>, %arg2: memref<1024x64xf32, #tpu.memory_space<vmem>>, %arg3: memref<1x1x4096xi32, #tpu.memory_space<vmem>>, %arg4: memref<1x1024xf32, #tpu.memory_space<vmem>>, %arg5: memref<1x1024xf32, #tpu.memory_space<vmem>>, %arg6: memref<1024x64xf32, #tpu.memory_space<vmem>>) attributes {dimension_semantics = [#tpu.dimension_semantics<arbitrary>], iteration_bounds = array<i64: 16>, scalar_prefetch = 0 : i64, scratch_operands = 3 : i64, tpu.core_type = #tpu.core_type<tc>, window_params = [{transform_indices = @transform_0, window_bounds = array<i64: 1, 64, 64, 64>}, {pipeline_mode = #tpu.pipeline_mode<synchronous>, transform_indices = @transform_1, window_bounds = array<i64: 1024, 64>}, {transform_indices = @transform_2, window_bounds = array<i64: 1, 1, 4096>}]} {
    %eq3A = arith.constant 0 : i32
    %eq3A_0 = arith.cmpi eq, %arg0, %eq3A : i32
    %convert_element_type3A = arith.extui %eq3A_0 : i1 to i32
    %cond3A = arith.constant 0 : i32
    %cond3A_1 = arith.cmpi ne, %convert_element_type3A, %cond3A : i32
    scf.if %cond3A_1 {
      %get3A_36 = arith.constant 0 : index
      %get3A_37 = arith.constant 0 : index
      %get3A_38 = vector.load %arg2[%get3A_36, %get3A_37] : memref<1024x64xf32, #tpu.memory_space<vmem>>, vector<1024x64xf32>
      %mul3A_39 = arith.mulf %get3A_38, %get3A_38 : vector<1024x64xf32>
      %reduce_sum3A_40 = arith.constant dense<0.000000e+00> : vector<1024xf32>
      %reduce_sum3A_41 = vector.multi_reduction <add>, %mul3A_39, %reduce_sum3A_40 [1] : vector<1024x64xf32> to vector<1024xf32>
      %broadcast_in_dim3A_42 = vector.shape_cast %reduce_sum3A_41 : vector<1024xf32> to vector<1x1024xf32>
      %swap3A_43 = arith.constant 0 : index
      %swap3A_44 = arith.constant 0 : index
      %swap3A_45 = vector.load %arg4[%swap3A_43, %swap3A_44] : memref<1x1024xf32, #tpu.memory_space<vmem>>, vector<1x1024xf32>
      tpu.vector_store %arg4[%swap3A_43, %swap3A_44], %broadcast_in_dim3A_42 {strides = array<i32>} : memref<1x1024xf32, #tpu.memory_space<vmem>>, vector<1x1024xf32>,
      %iota3A = tpu.iota {dimensions = array<i32: 1>} : vector<1x1024xi32>
      %convert_element_type3A_46 = arith.sitofp %iota3A : vector<1x1024xi32> to vector<1x1024xf32>
      %swap3A_47 = arith.constant 0 : index
      %swap3A_48 = arith.constant 0 : index
      %swap3A_49 = vector.load %arg5[%swap3A_47, %swap3A_48] : memref<1x1024xf32, #tpu.memory_space<vmem>>, vector<1x1024xf32>
      tpu.vector_store %arg5[%swap3A_47, %swap3A_48], %convert_element_type3A_46 {strides = array<i32>} : memref<1x1024xf32, #tpu.memory_space<vmem>>, vector<1x1024xf32>,
      %mul3A_50 = arith.constant -2.000000e+00 : f32
      %mul3A_51 = vector.broadcast %mul3A_50 : f32 to vector<1024x64xf32>
      %mul3A_52 = arith.mulf %get3A_38, %mul3A_51 : vector<1024x64xf32>
      %swap3A_53 = arith.constant 0 : index
      %swap3A_54 = arith.constant 0 : index
      %swap3A_55 = vector.load %arg6[%swap3A_53, %swap3A_54] : memref<1024x64xf32, #tpu.memory_space<vmem>>, vector<1024x64xf32>
      tpu.vector_store %arg6[%swap3A_53, %swap3A_54], %mul3A_52 {strides = array<i32>} : memref<1024x64xf32, #tpu.memory_space<vmem>>, vector<1024x64xf32>,
    } else {
    }
    %get3A = arith.constant 0 : index
    %get3A_2 = arith.constant 0 : index
    %get3A_3 = arith.constant 0 : index
    %get3A_4 = arith.constant 0 : index
    %get3A_5 = vector.load %arg1[%get3A, %get3A_2, %get3A_3, %get3A_4] : memref<1x64x64x64xf32, #tpu.memory_space<vmem>>, vector<1x64x64x64xf32>
    %get3A_6 = vector.shape_cast %get3A_5 : vector<1x64x64x64xf32> to vector<64x64x64xf32>
    %reshape3A = vector.shape_cast %get3A_6 : vector<64x64x64xf32> to vector<64x4096xf32>
    %transpose3A = tpu.transpose %reshape3A, [1, 0] : vector<64x4096xf32> -> vector<4096x64xf32>
    %mul3A = arith.mulf %transpose3A, %transpose3A : vector<4096x64xf32>
    %reduce_sum3A = arith.constant dense<0.000000e+00> : vector<4096xf32>
    %reduce_sum3A_7 = vector.multi_reduction <add>, %mul3A, %reduce_sum3A [1] : vector<4096x64xf32> to vector<4096xf32>
    %broadcast_in_dim3A = vector.shape_cast %reduce_sum3A_7 : vector<4096xf32> to vector<4096x1xf32>
    %get3A_8 = arith.constant 0 : index
    %get3A_9 = arith.constant 0 : index
    %get3A_10 = vector.load %arg6[%get3A_8, %get3A_9] : memref<1024x64xf32, #tpu.memory_space<vmem>>, vector<1024x64xf32>
    %dot_general3A = arith.constant dense<0.000000e+00> : vector<4096x1024xf32>
    %dot_general3A_11 = tpu.matmul %transpose3A, %get3A_10, %dot_general3A {dimension_numbers = #tpu.dot_dimension_numbers<[1], [1], [0], [0], [0, 0, 1, 0], [], []>, transpose_lhs_hint = false} : vector<4096x64xf32>, vector<1024x64xf32>, vector<4096x1024xf32> -> vector<4096x1024xf32>
    %get3A_12 = arith.constant 0 : index
    %get3A_13 = arith.constant 0 : index
    %get3A_14 = vector.load %arg4[%get3A_12, %get3A_13] : memref<1x1024xf32, #tpu.memory_space<vmem>>, vector<1x1024xf32>
    %add3A = vector.broadcast %broadcast_in_dim3A : vector<4096x1xf32> to vector<4096x1024xf32>
    %add3A_15 = vector.broadcast %get3A_14 : vector<1x1024xf32> to vector<4096x1024xf32>
    %add3A_16 = arith.addf %add3A, %add3A_15 : vector<4096x1024xf32>
    %add3A_17 = arith.addf %add3A_16, %dot_general3A_11 : vector<4096x1024xf32>
    %reduce_min3A = arith.constant dense<0x7F800000> : vector<4096xf32>
    %reduce_min3A_18 = vector.multi_reduction <minimumf>, %add3A_17, %reduce_min3A [1] : vector<4096x1024xf32> to vector<4096xf32>
    %broadcast_in_dim3A_19 = vector.shape_cast %reduce_min3A_18 : vector<4096xf32> to vector<4096x1xf32>
    %eq3A_20 = vector.broadcast %broadcast_in_dim3A_19 : vector<4096x1xf32> to vector<4096x1024xf32>
    %eq3A_21 = arith.cmpf oeq, %add3A_17, %eq3A_20 : vector<4096x1024xf32>
    %get3A_22 = arith.constant 0 : index
    %get3A_23 = arith.constant 0 : index
    %get3A_24 = vector.load %arg5[%get3A_22, %get3A_23] : memref<1x1024xf32, #tpu.memory_space<vmem>>, vector<1x1024xf32>
    %jit3A = arith.constant 2.048000e+03 : f32
    %broadcast_in_dim3A_25 = vector.shape_cast %get3A_24 : vector<1x1024xf32> to vector<1x1024xf32>
    %broadcast_in_dim3A_26 = vector.broadcast %broadcast_in_dim3A_25 : vector<1x1024xf32> to vector<4096x1024xf32>
    %broadcast_in_dim3A_27 = vector.broadcast %jit3A : f32 to vector<4096x1024xf32>
    %select_n3A = arith.select %eq3A_21, %broadcast_in_dim3A_26, %broadcast_in_dim3A_27 : vector<4096x1024xi1>, vector<4096x1024xf32>
    %reduce_min3A_28 = arith.constant dense<0x7F800000> : vector<4096xf32>
    %reduce_min3A_29 = vector.multi_reduction <minimumf>, %select_n3A, %reduce_min3A_28 [1] : vector<4096x1024xf32> to vector<4096xf32>
    %convert_element_type3A_30 = arith.fptosi %reduce_min3A_29 : vector<4096xf32> to vector<4096xi32>
    %swap3A = arith.constant 0 : index
    %swap3A_31 = arith.constant 0 : index
    %swap3A_32 = arith.constant 0 : index
    %swap3A_33 = vector.load %arg3[%swap3A, %swap3A_31, %swap3A_32] : memref<1x1x4096xi32, #tpu.memory_space<vmem>>, vector<1x1x4096xi32>
    %swap3A_34 = vector.shape_cast %swap3A_33 : vector<1x1x4096xi32> to vector<4096xi32>
    %swap3A_35 = vector.shape_cast %convert_element_type3A_30 : vector<4096xi32> to vector<1x1x4096xi32>
    tpu.vector_store %arg3[%swap3A, %swap3A_31, %swap3A_32], %swap3A_35 {strides = array<i32>} : memref<1x1x4096xi32, #tpu.memory_space<vmem>>, vector<1x1x4096xi32>,
    return
  }
  func.func @transform_0(%arg0: i32) -> (i32, i32, i32, i32) {
    %c0_i32 = arith.constant 0 : i32
    %c0_i32_0 = arith.constant 0 : i32
    %c0_i32_1 = arith.constant 0 : i32
    %c0_i32_2 = arith.constant 0 : i32
    return %arg0, %c0_i32, %c0_i32_0, %c0_i32_1 : i32, i32, i32, i32
  }
  func.func @transform_1(%arg0: i32) -> (i32, i32) {
    %c0_i32 = arith.constant 0 : i32
    %c0_i32_0 = arith.constant 0 : i32
    %c0_i32_1 = arith.constant 0 : i32
    return %c0_i32, %c0_i32_0 : i32, i32
  }
  func.func @transform_2(%arg0: i32) -> (i32, i32, i32) {
    %c0_i32 = arith.constant 0 : i32
    %c0_i32_0 = arith.constant 0 : i32
    %c0_i32_1 = arith.constant 0 : i32
    return %arg0, %c0_i32, %c0_i32_0 : i32, i32, i32
  }
}

module attributes {stable_mosaic.version = 14 : i64} {
  func.func @_transpose_body(%arg0: i32, %arg1: memref<1x4096x128xf32, #tpu.memory_space<vmem>>, %arg2: memref<1x64x64x64xf32, #tpu.memory_space<vmem>>) attributes {dimension_semantics = [#tpu.dimension_semantics<arbitrary>], iteration_bounds = array<i64: 16>, scalar_prefetch = 0 : i64, scratch_operands = 0 : i64, tpu.core_type = #tpu.core_type<tc>, window_params = [{transform_indices = @transform_0, window_bounds = array<i64: 1, 4096, 128>}, {transform_indices = @transform_1, window_bounds = array<i64: 1, 64, 64, 64>}]} {
    %get3A = arith.constant 0 : index
    %get3A_0 = arith.constant 0 : index
    %get3A_1 = arith.constant 0 : index
    %get3A_2 = vector.load %arg1[%get3A, %get3A_0, %get3A_1] : memref<1x4096x128xf32, #tpu.memory_space<vmem>>, vector<1x4096x128xf32>
    %get3A_3 = vector.shape_cast %get3A_2 : vector<1x4096x128xf32> to vector<4096x128xf32>
    %slice3A = vector.extract_strided_slice %get3A_3 {offsets = [0, 0], sizes = [4096, 64], strides = [1, 1]} : vector<4096x128xf32> to vector<4096x64xf32>
    %transpose3A = tpu.transpose %slice3A, [1, 0] : vector<4096x64xf32> -> vector<64x4096xf32>
    %reshape3A = vector.shape_cast %transpose3A : vector<64x4096xf32> to vector<64x64x64xf32>
    %swap3A = arith.constant 0 : index
    %swap3A_4 = arith.constant 0 : index
    %swap3A_5 = arith.constant 0 : index
    %swap3A_6 = arith.constant 0 : index
    %swap3A_7 = vector.load %arg2[%swap3A, %swap3A_4, %swap3A_5, %swap3A_6] : memref<1x64x64x64xf32, #tpu.memory_space<vmem>>, vector<1x64x64x64xf32>
    %swap3A_8 = vector.shape_cast %swap3A_7 : vector<1x64x64x64xf32> to vector<64x64x64xf32>
    %swap3A_9 = vector.shape_cast %reshape3A : vector<64x64x64xf32> to vector<1x64x64x64xf32>
    tpu.vector_store %arg2[%swap3A, %swap3A_4, %swap3A_5, %swap3A_6], %swap3A_9 {strides = array<i32>} : memref<1x64x64x64xf32, #tpu.memory_space<vmem>>, vector<1x64x64x64xf32>,
    return
  }
  func.func @transform_0(%arg0: i32) -> (i32, i32, i32) {
    %c0_i32 = arith.constant 0 : i32
    %c0_i32_0 = arith.constant 0 : i32
    %c0_i32_1 = arith.constant 0 : i32
    return %arg0, %c0_i32, %c0_i32_0 : i32, i32, i32
  }
  func.func @transform_1(%arg0: i32) -> (i32, i32, i32, i32) {
    %c0_i32 = arith.constant 0 : i32
    %c0_i32_0 = arith.constant 0 : i32
    %c0_i32_1 = arith.constant 0 : i32
    %c0_i32_2 = arith.constant 0 : i32
    return %arg0, %c0_i32, %c0_i32_0, %c0_i32_1 : i32, i32, i32, i32
  }
}

</mosaic_0001>

<sc_bundles>
// kernel: kernel.5.cloned.1.call-start
scs
__scs_entry_jumppad:
0x0: {  	(pc) =	sbr.rel $0x88, $3  }
0x1: {  	(tag) =	ssettag $0x0;
	lr =	simm.s32 $0x1  }
0x2: {  	[smem:$0x3F9F] =	sst lr;
	_ =	strace $0xD0000000  }
0x3: {  	_ = 	snop  }
0x4: {  	_ = 	snop  }
0x5: {  	_ = 	snop  }
0x6: {  	_ = 	snop  }
0x7: {  	_ = 	snop  }
__scs_overlays_trampoline_lowered:
0x8: {  	[smem:$0x3FAE] =	sst s0  }
0x9: {  	[smem:$0x3FAF] =	sst s1  }
0xa: {  	[smem:$0x3FB0] =	sst s2  }
0xb: {  	[smem:$0x3FB1] =	sst s3  }
0xc: {  	[smem:$0x3FB2] =	sst s4  }
0xd: {  	[smem:$0x3FB3] =	sst s5  }
0xe: {  	[smem:$0x3FB4] =	sst s6  }
0xf: {  	[smem:$0x3FB5] =	sst s7  }
0x10: {  	[smem:$0x3FB6] =	sst s8  }
0x11: {  	[smem:$0x3FB7] =	sst s9;
	s0 =	simm.s32 @!p0 $0x0  }
0x12: {  	s1 =	sld [smem:$0x3F9D];
	s0 =	simm.s32 @p0 $0x1  }
0x13: {  	[smem:$0x3FB8] =	sst s0;
	s0 =	simm.s32 @!p1 $0x0  }
0x14: {  	s2 =	sld [smem:$0x3F9C];
	s0 =	simm.s32 @p1 $0x1  }
0x15: {  	[smem:$0x3FB9] =	sst s0;
	s0 =	simm.s32 @!p2 $0x0  }
0x16: {  	s3 =	sld [smem:$0x3FDB];
	s0 =	simm.s32 @p2 $0x1  }
0x17: {  	s4 =	simm.s32 $0x1BF5;
	[smem:$0x3FBB] =	sst s0  }
0x18: {  	s0 =	sld [smem:$0x3F9E];
	_ =	swait.ge [sflag:s4], $0x0  }
0x19: {  	s7 =	sld [smem:$0x3F9F]  }
0x1a: {  	s8 =	sadd.s32 $0xFFFFE003, lr  }
0x1b: {  	s9 =	sadd.s32 $0xFFFFFEF7, lr;
	s5 =	simm.s32 $0xFFFFFFFF;
	p2 =	slt.u32 s8, $0xFFFFF086  }
0x1c: {  	p1 =	slt.u32 s9, $0xF7A;
	s5 =	simm.s32 @!p2 $0x0  }
0x1d: {  	s5 =	simm.s32 @p1 $0x1;
	p0 =	seq.s32 s7, s2  }
0x1e: {  	s7 =	smul.u32 @!p0 $0xF7A, s2;
	p2 =	seq.s32 @!p0 s5, $0x0  }
0x1f: {  	s9 =	smul.u32 $0xF7A, s1;
	s8 =	simm.s32 @!p0 $0x1BF5;
	p2 =	por !p2, p0  }
0x20: {  	[sflag:s8] =	ssyncset.s32 @!p0 $0xFFFFF086;
	s6 =	sadd.s32 @!p0 s3, s7;
	s7 =	simm.s32 @!p0 $0x108  }
0x21: {  	s3 =	sadd.s32 s3, s9;
	s6 =	sadd.s32 @!p0 $0x88, s6;
	s7 =	simm.s32 @p2 $0x1082  }
0x22: {  	[simem:s7], [sflag:s8] =	dma.local @!p0 [hbm:s6], $0xF7A  }
0x23: {  	s9 =	sor.u32 $0xD0000000, s2;
	s6 =	simm.s32 $0x108;
	_ =	swait.ge @!p0 [sflag:s8], $0x0  }
0x24: {  	s3 =	sadd.s32 $0x88, s3;
	s6 =	simm.s32 @!p1 $0x1082;
	[sflag:s4] =	ssyncset.s32 $0xFFFFF086  }
0x25: {  	[simem:s6], [sflag:s4] =	dma.local [hbm:s3], $0xF7A  }
0x26: {  	[smem:$0x3F9F] =	sst s1;
	(tag) =	ssettag s2;
	_ =	strace s9  }
0x27: {  	s1 =	sld [smem:$0x3FAF]  }
0x28: {  	s2 =	sld [smem:$0x3FB0]  }
0x29: {  	s4 =	sld [smem:$0x3FB2]  }
0x2a: {  	p0 =	seq.s32 s5, $0x0;
	s5 =	sld [smem:$0x3FB3]  }
0x2b: {  	s6 =	sld [smem:$0x3FB4]  }
0x2c: {  	s7 =	sld [smem:$0x3FB5]  }
0x2d: {  	s3 =	simm.s32 $0x108;
	s8 =	sld [smem:$0x3FB6]  }
0x2e: {  	s3 =	simm.s32 @!p0 $0x1082;
	s9 =	sld [smem:$0x3FB7]  }
0x2f: {  	lr =	sadd.s32 s0, s3;
	s0 =	sld [smem:$0x3FAE]  }
0x30: {  	s3 =	sld [smem:$0x3FB1]  }
0x31: {  	[smem:$0x3FBA] =	sst s10  }
0x32: {  	s10 =	sld [smem:$0x3FB8];
	_ =	sdelay $0x3  }
0x33: {  	p0 =	seq.s32 s10, $0x1;
	s10 =	sld [smem:$0x3FBA];
	_ =	sdelay $0x3  }
0x34: {  	[smem:$0x3FBA] =	sst s10  }
0x35: {  	s10 =	sld [smem:$0x3FB9];
	_ =	sdelay $0x3  }
0x36: {  	p1 =	seq.s32 s10, $0x1;
	s10 =	sld [smem:$0x3FBA];
	_ =	sdelay $0x3  }
0x37: {  	[smem:$0x3FBA] =	sst s10  }
0x38: {  	s10 =	sld [smem:$0x3FBB]  }
0x39: {  	_ = 	snop;
	(pc) =	sbr.ind lr, $3  }
0x3a: {  	_ = 	snop  }
0x3b: {  	_ = 	snop  }
0x3c: {  	p2 =	seq.s32 s10, $0x1;
	s10 =	sld [smem:$0x3FBA]  }
0x3d: {  	_ =	shalt  }
0x3e: {  	_ =	shalt  }
0x3f: {  	_ =	shalt  }
0x40: {  	_ =	shalt  }
0x41: {  	_ =	shalt  }
0x42: {  	_ =	shalt  }
0x43: {  	_ =	shalt  }
0x44: {  	_ =	shalt  }
0x45: {  	_ =	shalt  }
0x46: {  	_ =	shalt  }
0x47: {  	_ =	shalt  }
0x48: {  	_ =	shalt  }
0x49: {  	_ =	shalt  }
0x4a: {  	_ =	shalt  }
0x4b: {  	_ =	shalt  }
0x4c: {  	_ =	shalt  }
0x4d: {  	_ =	shalt  }
0x4e: {  	_ =	shalt  }
0x4f: {  	_ =	shalt  }
0x50: {  	_ =	shalt  }
0x51: {  	_ =	shalt  }
0x52: {  	_ =	shalt  }
0x53: {  	_ =	shalt  }
0x54: {  	_ =	shalt  }
0x55: {  	_ =	shalt  }
0x56: {  	_ =	shalt  }
0x57: {  	_ =	shalt  }
0x58: {  	_ =	shalt  }
0x59: {  	_ =	shalt  }
0x5a: {  	_ =	shalt  }
0x5b: {  	_ =	shalt  }
0x5c: {  	_ =	shalt  }
0x5d: {  	_ =	shalt  }
0x5e: {  	_ =	shalt  }
0x5f: {  	_ =	shalt  }
0x60: {  	_ =	shalt  }
0x61: {  	_ =	shalt  }
0x62: {  	_ =	shalt  }
0x63: {  	_ =	shalt  }
0x64: {  	_ =	shalt  }
0x65: {  	_ =	shalt  }
0x66: {  	_ =	shalt  }
0x67: {  	_ =	shalt  }
0x68: {  	_ =	shalt  }
0x69: {  	_ =	shalt  }
0x6a: {  	_ =	shalt  }
0x6b: {  	_ =	shalt  }
0x6c: {  	_ =	shalt  }
0x6d: {  	_ =	shalt  }
0x6e: {  	_ =	shalt  }
0x6f: {  	_ =	shalt  }
0x70: {  	_ =	shalt  }
0x71: {  	_ =	shalt  }
0x72: {  	_ =	shalt  }
0x73: {  	_ =	shalt  }
0x74: {  	_ =	shalt  }
0x75: {  	_ =	shalt  }
0x76: {  	_ =	shalt  }
0x77: {  	_ =	shalt  }
0x78: {  	_ =	shalt  }
0x79: {  	_ =	shalt  }
0x7a: {  	_ =	shalt  }
0x7b: {  	_ =	shalt  }
0x7c: {  	_ =	shalt  }
0x7d: {  	_ =	shalt  }
0x7e: {  	_ =	shalt  }
0x7f: {  	_ =	shalt  }
0x80: {  	_ =	shalt  }
0x81: {  	_ =	shalt  }
0x82: {  	_ =	shalt  }
0x83: {  	_ =	shalt  }
0x84: {  	_ =	shalt  }
0x85: {  	_ =	shalt  }
0x86: {  	_ =	shalt  }
0x87: {  	_ =	shalt  }
.Lfunc_end0:
.L_simem_size_0:
called_computation_lowered:
.L_overlay_start_0:
0x88: {  	s2 =	sld [smem:$0x3FD9]  }
0x89: {  	s3 =	sld [smem:$0x3FFE];
	_ =	sdelay $0x1  }
0x8a: {  	s1 =	srdreg.scid  }
0x8b: {  	s0 =	sand.u32 $0x1, s1  }
0x8c: {  	s14 =	sshll.u32 s0, $0xA;
	s2 =	sadd.s32 s3, s2  }
0x8d: {  	s2 =	sadd.s32 s2, s14  }
0x8e: {  	[smem:$0x3FC6] =	sst s2  }
0x8f: {  	_ = 	snop  }
0x90: {  	s2 =	sld [smem:$0x3FD0];
	_ =	sdelay $0x2  }
0x91: {  	s15 =	simm.s32 $0xA;
	s4 =	simm.s32 $0x10  }
0x92: {  	[smem:s4], [sflag:s15] =	dma.local [hbm:s2], $0x1  }
0x93: {  	_ =	swait.eq [sflag:s15], $0x1  }
0x94: {  	[sflag:s15] =	ssyncset.done $0x0  }
0x95: {  	[sflag:s15] =	ssyncadd.s32 $0xFFFFFFFF  }
0x96: {  	s16 =	sld [smem:$0x10];
	(tm) =	ssettm $0x1  }
0x97: {  	s17 =	sld [smem:$0x3FFB];
	_ =	sdelay $0x3  }
0x98: {  	_ =	strace s17  }
0x99: {  	s3 =	sld [smem:$0x3FFC];
	_ =	sdelay $0x3  }
0x9a: {  	_ =	strace s3  }
0x9b: {  	s3 =	sld [smem:$0x3FFD];
	_ =	sdelay $0x3  }
0x9c: {  	_ =	strace s3  }
0x9d: {  	_ =	strace $0x8FFFFFFF  }
0x9e: {  	s18 =	sld [smem:$0x3FDB];
	_ =	sdelay $0x1  }
0x9f: {  	s19 =	simm.s32 $_scs_section_size  }
0xa0: {  	s5 =	simm.s32 $_size__tile_overlayer_lowered;
	s6 =	simm.s32 $_tile_overlayer_lowered  }
0xa1: {  	s22 =	simm.s32 $0x1BFF;
	s21 =	sshll.u32 s6, $0x1;
	s3 =	sadd.s32 s19, s18  }
0xa2: {  	s7 =	simm.s32 $0x0;
	s20 =	sshll.u32 s5, $0x1;
	s5 =	sadd.s32 s21, s3  }
0xa3: {  	[timem:s7], [sflag:s22] =	dma.local [hbm:s5], s20  }
0xa4: {  	_ =	swait.ge [sflag:s22], s20  }
0xa5: {  	s4 =	ssub.s32 $0x0, s20;
	[sflag:s22] =	ssyncset.done $0x0  }
0xa6: {  	[sflag:s22] =	ssyncadd.s32 s4;
	_ =	sdelay $0x1  }
0xa7: {  	s23 =	simm.s32 $0x1B8B  }
0xa8: {  	_ =	swait.ge [sflag:s23], $0x1  }
0xa9: {  	[sflag:s23] =	ssyncset.done $0x0  }
0xaa: {  	s25 =	simm.s32 $0x1B8E;
	s24 =	sld [smem:$0x3FFE];
	[sflag:s23] =	ssyncadd.s32 $0xFFFFFFFF  }
0xab: {  	s26 =	simm.s32 $execute0_lowered;
	[smem:$0x3FD2] =	sst s25  }
0xac: {  	s5 =	sshll.u32 s26, $0x1;
	_ =	strace $0x80000046;
	[dreg:$0x1] =	wrdreg $0xFFFFFFFF  }
0xad: {  	s28 =	simm.s32 $_size_execute0_lowered;
	s3 =	sadd.s32 s3, s5;
	[dreg:$0x0] =	wrdreg $0x0  }
0xae: {  	s5 =	sshll.u32 s28, $0x1;
	[dreg:$0x2] =	wrdreg s3  }
0xaf: {  	[dreg:$0x3] =	wrdreg s5  }
0xb0: {  	[dreg:$0x4] =	wrdreg $0xC0  }
0xb1: {  	_ =	task [dreg:s7], $0x5FFFF  }
0xb2: {  	[dreg:$0x1] =	wrdreg $0xFFFFFFFF  }
0xb3: {  	[dreg:$0x0] =	wrdreg $0x60  }
0xb4: {  	[dreg:$0x2] =	wrdreg s16  }
0xb5: {  	[dreg:$0x3] =	wrdreg s24  }
0xb6: {  	[dreg:$0x4] =	wrdreg $0x9  }
0xb7: {  	_ =	task.clear_ibuf [dreg:s7], $0x5FFFF;
	_ =	strace $0x90000046  }
0xb8: {  	s29 =	simm.s32 $0x9;
	_ =	strace $0x80000048  }
0xb9: {  	_ =	swait.ge [sflag:s29], $0x1  }
0xba: {  	[sflag:s29] =	ssyncadd.s32 $0xFFFFFFFF  }
0xbb: {  	_ =	strace $0x90000048  }
0xbc: {  	_ =	sfence  }
0xbd: {  	s30 =	sld [smem:$0x0];
	_ =	sdelay $0x2  }
0xbe: {  	s31 =	sshll.u32 s1, $0xD;
	s1 =	sshrl.u32 s1, $0x2  }
0xbf: {  	s3 =	sand.u32 $0x4000, s31;
	s1 =	sadd.s32 s1, s30  }
0xc0: {  	s0 =	sor.u32 s3, s0;
	s1 =	sshll.u32 s1, $0x11  }
0xc1: {  	s0 =	sor.u32 s1, s0  }
0xc2: {  	s0 =	sadd.s32 $0x8F2B, s0  }
0xc3: {  	[sflag:s0] =	ssyncadd.remote.s32 $0x1  }
0xc4: {  	_ =	sfence.sel $0xFFFF  }
0xc5: {  	[dreg:$0x0] =	wrdreg $0xFFFFFFFF;
	(pc) =	sbr.abs _section_cstart, $3  }
0xc6: {  	[dreg:$0x1] =	wrdreg $0xFFFFFFFF  }
0xc7: {  	_ =	task.clear_ibuf [dreg:s7], $0x2FFFF;
	_ =	strace $0x9FFFFFFF  }
0xc8: {  	(tm) =	ssettm $0x7FFFFFFF  }
0xc9: {  	_ =	shalt  }
tec
execute0_lowered:
.L_overlay_start_1:
0x0: {  	(tag) =	ssettag $0x1  }
0x1: {  	s1 =	srdreg.scid  }
0x2: {  	s0 =	stileid.u32;
	s1 =	sand.u32 $0x1, s1  }
0x3: {  	s3 =	sshll.u32 s0, $0xC;
	s4 =	sshll.u32 s1, $0xB  }
0x4: {  	s2 =	rddreg [dreg:$0x0];
	s4 =	sor.u32 s4, s3  }
0x5: {  	s5 =	rddreg [dreg:$0x1];
	s6 =	sshrl.u32 s4, $0x3  }
0x6: {  	s3 =	simm.s32 $0x0;
	s4 =	sshll.u32 s4, $0x4;
	s6 =	sadd.s32 s6, s5  }
0x7: {  	[smem:$0x7FF] =	sst s3;
	s31 =	sadd.s32 s4, s5;
	s16 =	sadd.s32 $0x400, s6  }
0x8: {  	_ =	strace $0x80000047;
	s17 =	sadd.s32 $0x2400, s31;
	[dreg:$0x3] =	wrdreg s16  }
0x9: {  	s18 =	sadd.s32 $0x2C00, s31;
	[dreg:$0x4] =	wrdreg s17  }
0xa: {  	s19 =	sadd.s32 $0x3400, s31;
	[dreg:$0x5] =	wrdreg s18  }
0xb: {  	s20 =	sadd.s32 $0x3C00, s31;
	[dreg:$0x6] =	wrdreg s19  }
0xc: {  	s21 =	sadd.s32 $0x4400, s31;
	[dreg:$0x7] =	wrdreg s20  }
0xd: {  	s22 =	sadd.s32 $0x4C00, s31;
	[dreg:$0x8] =	wrdreg s21  }
0xe: {  	s23 =	sadd.s32 $0x5400, s31;
	[dreg:$0x9] =	wrdreg s22  }
0xf: {  	s24 =	sadd.s32 $0x5C00, s31;
	[dreg:$0xa] =	wrdreg s23  }
0x10: {  	s26 =	sadd.s32 $0x6400, s31;
	[dreg:$0xb] =	wrdreg s24  }
0x11: {  	[dreg:$0xc] =	wrdreg s26  }
0x12: {  	s4 =	simm.s32 $0x3;
	s25 =	rddreg [dreg:$0x3]  }
0x13: {  	[tilespmem:s3], [sflag:$0x3] =	stream.linear.gather [hbm4b:s25+s3], $0x800, $0x38;
	[tilespmem:$0x8800] =	vst v63  }
0x14: {  	_ =	swait.ge [sflag:s4], $0x800  }
0x15: {  	[sflag:s4] =	ssyncset.done $0x0  }
0x16: {  	s5 =	simm.s32 $0x80;
	s6 =	simm.s32 $0x800;
	[sflag:s4] =	ssyncadd.s32 $0xFFFFF800  }
0x17: {  	[tilespmem:s6], [sflag:$0x1] =	stream.indirect.gather [hbm4b:s2+s5], $0x80, s3, s5, $0xb8;
	[tilespmem:$0x8800] =	vst v63  }
0x18: {  	s7 =	simm.s32 $0x4800;
	s8 =	simm.s32 $0x1  }
0x19: {  	[tilespmem:s7], [sflag:$0x2] =	stream.indirect.gather [hbm4b:s2+s5], $0x80, s5, s5, $0xb8;
	[tilespmem:$0x8800] =	vst v63  }
0x1a: {  	_ =	swait.ge [sflag:s8], $0x4000  }
0x1b: {  	[sflag:s8] =	ssyncset.done $0x0  }
0x1c: {  	s9 =	rddreg [dreg:$0x4];
	[sflag:s8] =	ssyncadd.s32 $0xFFFFC000  }
0x1d: {  	[hbm4b:s9+s3] =	stream.linear.scatter [tilespmem:s6], [sflag:$0x3], $0x4000, $0x38;
	[tilespmem:$0x8800] =	vst v63  }
0x1e: {  	_ =	swait.ge [sflag:s4], $0x4000  }
0x1f: {  	[sflag:s4] =	ssyncset.done $0x0  }
0x20: {  	s10 =	simm.s32 $0x2;
	s9 =	simm.s32 $0x100;
	[sflag:s4] =	ssyncadd.s32 $0xFFFFC000  }
0x21: {  	[tilespmem:s6], [sflag:$0x1] =	stream.indirect.gather [hbm4b:s2+s5], $0x80, s9, s5, $0xb8;
	[tilespmem:$0x8800] =	vst v63  }
0x22: {  	_ =	swait.ge [sflag:s10], $0x4000  }
0x23: {  	[sflag:s10] =	ssyncset.done $0x0  }
0x24: {  	s11 =	rddreg [dreg:$0x5];
	[sflag:s10] =	ssyncadd.s32 $0xFFFFC000  }
0x25: {  	[hbm4b:s11+s3] =	stream.linear.scatter [tilespmem:s7], [sflag:$0x3], $0x4000, $0x38;
	[tilespmem:$0x8800] =	vst v63  }
0x26: {  	_ =	swait.ge [sflag:s4], $0x4000  }
0x27: {  	[sflag:s4] =	ssyncset.done $0x0  }
0x28: {  	s11 =	simm.s32 $0x180;
	[sflag:s4] =	ssyncadd.s32 $0xFFFFC000  }
0x29: {  	[tilespmem:s7], [sflag:$0x2] =	stream.indirect.gather [hbm4b:s2+s5], $0x80, s11, s5, $0xb8;
	[tilespmem:$0x8800] =	vst v63  }
0x2a: {  	_ =	swait.ge [sflag:s8], $0x4000  }
0x2b: {  	[sflag:s8] =	ssyncset.done $0x0  }
0x2c: {  	s12 =	rddreg [dreg:$0x6];
	[sflag:s8] =	ssyncadd.s32 $0xFFFFC000  }
0x2d: {  	[hbm4b:s12+s3] =	stream.linear.scatter [tilespmem:s6], [sflag:$0x3], $0x4000, $0x38;
	[tilespmem:$0x8800] =	vst v63  }
0x2e: {  	_ =	swait.ge [sflag:s4], $0x4000  }
0x2f: {  	[sflag:s4] =	ssyncset.done $0x0  }
0x30: {  	s12 =	simm.s32 $0x200;
	[sflag:s4] =	ssyncadd.s32 $0xFFFFC000  }
0x31: {  	[tilespmem:s6], [sflag:$0x1] =	stream.indirect.gather [hbm4b:s2+s5], $0x80, s12, s5, $0xb8;
	[tilespmem:$0x8800] =	vst v63  }
0x32: {  	_ =	swait.ge [sflag:s10], $0x4000  }
0x33: {  	[sflag:s10] =	ssyncset.done $0x0  }
0x34: {  	s13 =	rddreg [dreg:$0x7];
	[sflag:s10] =	ssyncadd.s32 $0xFFFFC000  }
0x35: {  	[hbm4b:s13+s3] =	stream.linear.scatter [tilespmem:s7], [sflag:$0x3], $0x4000, $0x38;
	[tilespmem:$0x8800] =	vst v63  }
0x36: {  	_ =	swait.ge [sflag:s4], $0x4000  }
0x37: {  	[sflag:s4] =	ssyncset.done $0x0  }
0x38: {  	s13 =	simm.s32 $0x280;
	[sflag:s4] =	ssyncadd.s32 $0xFFFFC000  }
0x39: {  	[tilespmem:s7], [sflag:$0x2] =	stream.indirect.gather [hbm4b:s2+s5], $0x80, s13, s5, $0xb8;
	[tilespmem:$0x8800] =	vst v63  }
0x3a: {  	_ =	swait.ge [sflag:s8], $0x4000  }
0x3b: {  	[sflag:s8] =	ssyncset.done $0x0  }
0x3c: {  	s14 =	rddreg [dreg:$0x8];
	[sflag:s8] =	ssyncadd.s32 $0xFFFFC000  }
0x3d: {  	[hbm4b:s14+s3] =	stream.linear.scatter [tilespmem:s6], [sflag:$0x3], $0x4000, $0x38;
	[tilespmem:$0x8800] =	vst v63  }
0x3e: {  	_ =	swait.ge [sflag:s4], $0x4000  }
0x3f: {  	[sflag:s4] =	ssyncset.done $0x0  }
0x40: {  	s14 =	simm.s32 $0x300;
	[sflag:s4] =	ssyncadd.s32 $0xFFFFC000  }
0x41: {  	[tilespmem:s6], [sflag:$0x1] =	stream.indirect.gather [hbm4b:s2+s5], $0x80, s14, s5, $0xb8;
	[tilespmem:$0x8800] =	vst v63  }
0x42: {  	_ =	swait.ge [sflag:s10], $0x4000  }
0x43: {  	[sflag:s10] =	ssyncset.done $0x0  }
0x44: {  	s15 =	rddreg [dreg:$0x9];
	[sflag:s10] =	ssyncadd.s32 $0xFFFFC000  }
0x45: {  	[hbm4b:s15+s3] =	stream.linear.scatter [tilespmem:s7], [sflag:$0x3], $0x4000, $0x38;
	[tilespmem:$0x8800] =	vst v63  }
0x46: {  	_ =	swait.ge [sflag:s4], $0x4000  }
0x47: {  	[sflag:s4] =	ssyncset.done $0x0  }
0x48: {  	s15 =	simm.s32 $0x380;
	[sflag:s4] =	ssyncadd.s32 $0xFFFFC000  }
0x49: {  	[tilespmem:s7], [sflag:$0x2] =	stream.indirect.gather [hbm4b:s2+s5], $0x80, s15, s5, $0xb8;
	[tilespmem:$0x8800] =	vst v63  }
0x4a: {  	_ =	swait.ge [sflag:s8], $0x4000  }
0x4b: {  	[sflag:s8] =	ssyncset.done $0x0  }
0x4c: {  	s16 =	rddreg [dreg:$0xa];
	[sflag:s8] =	ssyncadd.s32 $0xFFFFC000  }
0x4d: {  	[hbm4b:s16+s3] =	stream.linear.scatter [tilespmem:s6], [sflag:$0x3], $0x4000, $0x38;
	[tilespmem:$0x8800] =	vst v63  }
0x4e: {  	_ =	swait.ge [sflag:s4], $0x4000  }
0x4f: {  	[sflag:s4] =	ssyncset.done $0x0  }
0x50: {  	s16 =	simm.s32 $0x400;
	[sflag:s4] =	ssyncadd.s32 $0xFFFFC000  }
0x51: {  	[tilespmem:s6], [sflag:$0x1] =	stream.indirect.gather [hbm4b:s2+s5], $0x80, s16, s5, $0xb8;
	[tilespmem:$0x8800] =	vst v63  }
0x52: {  	_ =	swait.ge [sflag:s10], $0x4000  }
0x53: {  	[sflag:s10] =	ssyncset.done $0x0  }
0x54: {  	s17 =	rddreg [dreg:$0xb];
	[sflag:s10] =	ssyncadd.s32 $0xFFFFC000  }
0x55: {  	[hbm4b:s17+s3] =	stream.linear.scatter [tilespmem:s7], [sflag:$0x3], $0x4000, $0x38;
	[tilespmem:$0x8800] =	vst v63  }
0x56: {  	_ =	swait.ge [sflag:s4], $0x4000  }
0x57: {  	[sflag:s4] =	ssyncset.done $0x0  }
0x58: {  	s17 =	simm.s32 $0x480;
	[sflag:s4] =	ssyncadd.s32 $0xFFFFC000  }
0x59: {  	[tilespmem:s7], [sflag:$0x2] =	stream.indirect.gather [hbm4b:s2+s5], $0x80, s17, s5, $0xb8;
	[tilespmem:$0x8800] =	vst v63  }
0x5a: {  	_ =	swait.ge [sflag:s8], $0x4000  }
0x5b: {  	[sflag:s8] =	ssyncset.done $0x0  }
0x5c: {  	s18 =	rddreg [dreg:$0xc];
	[sflag:s8] =	ssyncadd.s32 $0xFFFFC000  }
0x5d: {  	[hbm4b:s18+s3] =	stream.linear.scatter [tilespmem:s6], [sflag:$0x3], $0x4000, $0x38;
	[tilespmem:$0x8800] =	vst v63  }
0x5e: {  	_ =	swait.ge [sflag:s4], $0x4000  }
0x5f: {  	[sflag:s4] =	ssyncset.done $0x0  }
0x60: {  	s18 =	simm.s32 $0x500;
	[sflag:s4] =	ssyncadd.s32 $0xFFFFC000  }
0x61: {  	[tilespmem:s6], [sflag:$0x1] =	stream.indirect.gather [hbm4b:s2+s5], $0x80, s18, s5, $0xb8;
	[tilespmem:$0x8800] =	vst v63  }
0x62: {  	_ =	swait.ge [sflag:s10], $0x4000  }
0x63: {  	[sflag:s10] =	ssyncset.done $0x0  }
0x64: {  	s19 =	sadd.s32 $0x6C00, s31;
	[sflag:s10] =	ssyncadd.s32 $0xFFFFC000  }
0x65: {  	[hbm4b:s19+s3] =	stream.linear.scatter [tilespmem:s7], [sflag:$0x3], $0x4000, $0x38;
	[tilespmem:$0x8800] =	vst v63  }
0x66: {  	_ =	swait.ge [sflag:s4], $0x4000  }
0x67: {  	[sflag:s4] =	ssyncset.done $0x0  }
0x68: {  	s20 =	simm.s32 $0x580;
	[sflag:s4] =	ssyncadd.s32 $0xFFFFC000  }
0x69: {  	[tilespmem:s7], [sflag:$0x2] =	stream.indirect.gather [hbm4b:s2+s5], $0x80, s20, s5, $0xb8;
	[tilespmem:$0x8800] =	vst v63  }
0x6a: {  	_ =	swait.ge [sflag:s8], $0x4000  }
0x6b: {  	[sflag:s8] =	ssyncset.done $0x0  }
0x6c: {  	s21 =	sadd.s32 $0x7400, s31;
	[sflag:s8] =	ssyncadd.s32 $0xFFFFC000  }
0x6d: {  	[hbm4b:s21+s3] =	stream.linear.scatter [tilespmem:s6], [sflag:$0x3], $0x4000, $0x38;
	[tilespmem:$0x8800] =	vst v63  }
0x6e: {  	_ =	swait.ge [sflag:s4], $0x4000  }
0x6f: {  	[sflag:s4] =	ssyncset.done $0x0  }
0x70: {  	s22 =	simm.s32 $0x600;
	[sflag:s4] =	ssyncadd.s32 $0xFFFFC000  }
0x71: {  	[tilespmem:s6], [sflag:$0x1] =	stream.indirect.gather [hbm4b:s2+s5], $0x80, s22, s5, $0xb8;
	[tilespmem:$0x8800] =	vst v63  }
0x72: {  	_ =	swait.ge [sflag:s10], $0x4000  }
0x73: {  	[sflag:s10] =	ssyncset.done $0x0  }
0x74: {  	s23 =	sadd.s32 $0x7C00, s31;
	[sflag:s10] =	ssyncadd.s32 $0xFFFFC000  }
0x75: {  	[hbm4b:s23+s3] =	stream.linear.scatter [tilespmem:s7], [sflag:$0x3], $0x4000, $0x38;
	[tilespmem:$0x8800] =	vst v63  }
0x76: {  	_ =	swait.ge [sflag:s4], $0x4000  }
0x77: {  	[sflag:s4] =	ssyncset.done $0x0  }
0x78: {  	s24 =	simm.s32 $0x680;
	[sflag:s4] =	ssyncadd.s32 $0xFFFFC000  }
0x79: {  	[tilespmem:s7], [sflag:$0x2] =	stream.indirect.gather [hbm4b:s2+s5], $0x80, s24, s5, $0xb8;
	[tilespmem:$0x8800] =	vst v63  }
0x7a: {  	_ =	swait.ge [sflag:s8], $0x4000  }
0x7b: {  	[sflag:s8] =	ssyncset.done $0x0  }
0x7c: {  	s25 =	sadd.s32 $0x8400, s31;
	[sflag:s8] =	ssyncadd.s32 $0xFFFFC000  }
0x7d: {  	[hbm4b:s25+s3] =	stream.linear.scatter [tilespmem:s6], [sflag:$0x3], $0x4000, $0x38;
	[tilespmem:$0x8800] =	vst v63  }
0x7e: {  	_ =	swait.ge [sflag:s4], $0x4000  }
0x7f: {  	[sflag:s4] =	ssyncset.done $0x0  }
0x80: {  	s26 =	simm.s32 $0x700;
	[sflag:s4] =	ssyncadd.s32 $0xFFFFC000  }
0x81: {  	[tilespmem:s6], [sflag:$0x1] =	stream.indirect.gather [hbm4b:s2+s5], $0x80, s26, s5, $0xb8;
	[tilespmem:$0x8800] =	vst v63  }
0x82: {  	_ =	swait.ge [sflag:s10], $0x4000  }
0x83: {  	[sflag:s10] =	ssyncset.done $0x0  }
0x84: {  	s28 =	sadd.s32 $0x8C00, s31;
	[sflag:s10] =	ssyncadd.s32 $0xFFFFC000  }
0x85: {  	[hbm4b:s28+s3] =	stream.linear.scatter [tilespmem:s7], [sflag:$0x3], $0x4000, $0x38;
	[tilespmem:$0x8800] =	vst v63  }
0x86: {  	_ =	swait.ge [sflag:s4], $0x4000  }
0x87: {  	[sflag:s4] =	ssyncset.done $0x0  }
0x88: {  	s29 =	simm.s32 $0x780;
	[sflag:s4] =	ssyncadd.s32 $0xFFFFC000  }
0x89: {  	[tilespmem:s7], [sflag:$0x2] =	stream.indirect.gather [hbm4b:s2+s5], $0x80, s29, s5, $0xb8;
	[tilespmem:$0x8800] =	vst v63  }
0x8a: {  	_ =	swait.ge [sflag:s8], $0x4000  }
0x8b: {  	s1 =	ssub.s32 $0x2, s1;
	[sflag:s8] =	ssyncset.done $0x0  }
0x8c: {  	s0 =	sshrl.u32 s1, $0x1;
	s30 =	sadd.s32 $0x9400, s31;
	[sflag:s8] =	ssyncadd.s32 $0xFFFFC000  }
0x8d: {  	[hbm4b:s30+s3] =	stream.linear.scatter [tilespmem:s6], [sflag:$0x3], $0x4000, $0x38;
	[tilespmem:$0x8800] =	vst v63  }
0x8e: {  	s0 =	ssub.s32 s1, s0;
	_ =	swait.ge [sflag:s4], $0x4000  }
0x8f: {  	s0 =	smax.u32 s0, $0x1;
	[sflag:s4] =	ssyncset.done $0x0  }
0x90: {  	p0 =	sne.s32 s0, $0x1;
	[sflag:s4] =	ssyncadd.s32 $0xFFFFC000  }
.Ltmp0:
0x91: {  	_ =	swait.ge [sflag:s10], $0x4000;
	(pc) =	sbr.rel @!p0 .LBB2_2-.Ltmp0, $4  }
0x92: {  	[sflag:s10] =	ssyncset.done $0x0  }
0x93: {  	s31 =	sadd.s32 $0x9C00, s31;
	[sflag:s10] =	ssyncadd.s32 $0xFFFFC000  }
0x94: {  	[hbm4b:s31+s3] =	stream.linear.scatter [tilespmem:s7], [sflag:$0x3], $0x4000, $0x38;
	[tilespmem:$0x8800] =	vst v63  }
0x95: {  	s1 =	sadd.s32 $0xFFFFFFFF, s0;
	_ =	swait.ge [sflag:s4], $0x4000  }
.LBB2_1:
0x96: {  	[sflag:s4] =	ssyncset.done $0x0  }
0x97: {  	s0 =	rddreg [dreg:$0x3];
	[sflag:s4] =	ssyncadd.s32 $0xFFFFC000  }
0x98: {  	[tilespmem:s3], [sflag:$0x3] =	stream.linear.gather [hbm4b:s0+s3], $0x800, $0x38;
	[tilespmem:$0x8800] =	vst v63  }
0x99: {  	_ =	swait.ge [sflag:s4], $0x800  }
0x9a: {  	[sflag:s4] =	ssyncset.done $0x0  }
0x9b: {  	[sflag:s4] =	ssyncadd.s32 $0xFFFFF800  }
0x9c: {  	[tilespmem:s6], [sflag:$0x1] =	stream.indirect.gather [hbm4b:s2+s5], $0x80, s3, s5, $0xb8;
	[tilespmem:$0x8800] =	vst v63  }
0x9d: {  	_ = 	snop  }
0x9e: {  	[tilespmem:s7], [sflag:$0x2] =	stream.indirect.gather [hbm4b:s2+s5], $0x80, s5, s5, $0xb8;
	[tilespmem:$0x8800] =	vst v63  }
0x9f: {  	_ =	swait.ge [sflag:s8], $0x4000  }
0xa0: {  	[sflag:s8] =	ssyncset.done $0x0  }
0xa1: {  	s0 =	rddreg [dreg:$0x4];
	[sflag:s8] =	ssyncadd.s32 $0xFFFFC000  }
0xa2: {  	[hbm4b:s0+s3] =	stream.linear.scatter [tilespmem:s6], [sflag:$0x3], $0x4000, $0x38;
	[tilespmem:$0x8800] =	vst v63  }
0xa3: {  	_ =	swait.ge [sflag:s4], $0x4000  }
0xa4: {  	[sflag:s4] =	ssyncset.done $0x0  }
0xa5: {  	[sflag:s4] =	ssyncadd.s32 $0xFFFFC000  }
0xa6: {  	[tilespmem:s6], [sflag:$0x1] =	stream.indirect.gather [hbm4b:s2+s5], $0x80, s9, s5, $0xb8;
	[tilespmem:$0x8800] =	vst v63  }
0xa7: {  	_ =	swait.ge [sflag:s10], $0x4000  }
0xa8: {  	[sflag:s10] =	ssyncset.done $0x0  }
0xa9: {  	s0 =	rddreg [dreg:$0x5];
	[sflag:s10] =	ssyncadd.s32 $0xFFFFC000  }
0xaa: {  	[hbm4b:s0+s3] =	stream.linear.scatter [tilespmem:s7], [sflag:$0x3], $0x4000, $0x38;
	[tilespmem:$0x8800] =	vst v63  }
0xab: {  	_ =	swait.ge [sflag:s4], $0x4000  }
0xac: {  	[sflag:s4] =	ssyncset.done $0x0  }
0xad: {  	[sflag:s4] =	ssyncadd.s32 $0xFFFFC000  }
0xae: {  	[tilespmem:s7], [sflag:$0x2] =	stream.indirect.gather [hbm4b:s2+s5], $0x80, s11, s5, $0xb8;
	[tilespmem:$0x8800] =	vst v63  }
0xaf: {  	_ =	swait.ge [sflag:s8], $0x4000  }
0xb0: {  	[sflag:s8] =	ssyncset.done $0x0  }
0xb1: {  	s0 =	rddreg [dreg:$0x6];
	[sflag:s8] =	ssyncadd.s32 $0xFFFFC000  }
0xb2: {  	[hbm4b:s0+s3] =	stream.linear.scatter [tilespmem:s6], [sflag:$0x3], $0x4000, $0x38;
	[tilespmem:$0x8800] =	vst v63  }
0xb3: {  	_ =	swait.ge [sflag:s4], $0x4000  }
0xb4: {  	[sflag:s4] =	ssyncset.done $0x0  }
0xb5: {  	[sflag:s4] =	ssyncadd.s32 $0xFFFFC000  }
0xb6: {  	[tilespmem:s6], [sflag:$0x1] =	stream.indirect.gather [hbm4b:s2+s5], $0x80, s12, s5, $0xb8;
	[tilespmem:$0x8800] =	vst v63  }
0xb7: {  	_ =	swait.ge [sflag:s10], $0x4000  }
0xb8: {  	[sflag:s10] =	ssyncset.done $0x0  }
0xb9: {  	s0 =	rddreg [dreg:$0x7];
	[sflag:s10] =	ssyncadd.s32 $0xFFFFC000  }
0xba: {  	[hbm4b:s0+s3] =	stream.linear.scatter [tilespmem:s7], [sflag:$0x3], $0x4000, $0x38;
	[tilespmem:$0x8800] =	vst v63  }
0xbb: {  	_ =	swait.ge [sflag:s4], $0x4000  }
0xbc: {  	[sflag:s4] =	ssyncset.done $0x0  }
0xbd: {  	[sflag:s4] =	ssyncadd.s32 $0xFFFFC000  }
0xbe: {  	[tilespmem:s7], [sflag:$0x2] =	stream.indirect.gather [hbm4b:s2+s5], $0x80, s13, s5, $0xb8;
	[tilespmem:$0x8800] =	vst v63  }
0xbf: {  	_ =	swait.ge [sflag:s8], $0x4000  }
0xc0: {  	[sflag:s8] =	ssyncset.done $0x0  }
0xc1: {  	s0 =	rddreg [dreg:$0x8];
	[sflag:s8] =	ssyncadd.s32 $0xFFFFC000  }
0xc2: {  	[hbm4b:s0+s3] =	stream.linear.scatter [tilespmem:s6], [sflag:$0x3], $0x4000, $0x38;
	[tilespmem:$0x8800] =	vst v63  }
0xc3: {  	_ =	swait.ge [sflag:s4], $0x4000  }
0xc4: {  	[sflag:s4] =	ssyncset.done $0x0  }
0xc5: {  	[sflag:s4] =	ssyncadd.s32 $0xFFFFC000  }
0xc6: {  	[tilespmem:s6], [sflag:$0x1] =	stream.indirect.gather [hbm4b:s2+s5], $0x80, s14, s5, $0xb8;
	[tilespmem:$0x8800] =	vst v63  }
0xc7: {  	_ =	swait.ge [sflag:s10], $0x4000  }
0xc8: {  	[sflag:s10] =	ssyncset.done $0x0  }
0xc9: {  	s0 =	rddreg [dreg:$0x9];
	[sflag:s10] =	ssyncadd.s32 $0xFFFFC000  }
0xca: {  	[hbm4b:s0+s3] =	stream.linear.scatter [tilespmem:s7], [sflag:$0x3], $0x4000, $0x38;
	[tilespmem:$0x8800] =	vst v63  }
0xcb: {  	_ =	swait.ge [sflag:s4], $0x4000  }
0xcc: {  	[sflag:s4] =	ssyncset.done $0x0  }
0xcd: {  	[sflag:s4] =	ssyncadd.s32 $0xFFFFC000  }
0xce: {  	[tilespmem:s7], [sflag:$0x2] =	stream.indirect.gather [hbm4b:s2+s5], $0x80, s15, s5, $0xb8;
	[tilespmem:$0x8800] =	vst v63  }
0xcf: {  	_ =	swait.ge [sflag:s8], $0x4000  }
0xd0: {  	[sflag:s8] =	ssyncset.done $0x0  }
0xd1: {  	s0 =	rddreg [dreg:$0xa];
	[sflag:s8] =	ssyncadd.s32 $0xFFFFC000  }
0xd2: {  	[hbm4b:s0+s3] =	stream.linear.scatter [tilespmem:s6], [sflag:$0x3], $0x4000, $0x38;
	[tilespmem:$0x8800] =	vst v63  }
0xd3: {  	_ =	swait.ge [sflag:s4], $0x4000  }
0xd4: {  	[sflag:s4] =	ssyncset.done $0x0  }
0xd5: {  	[sflag:s4] =	ssyncadd.s32 $0xFFFFC000  }
0xd6: {  	[tilespmem:s6], [sflag:$0x1] =	stream.indirect.gather [hbm4b:s2+s5], $0x80, s16, s5, $0xb8;
	[tilespmem:$0x8800] =	vst v63  }
0xd7: {  	_ =	swait.ge [sflag:s10], $0x4000  }
0xd8: {  	[sflag:s10] =	ssyncset.done $0x0  }
0xd9: {  	s0 =	rddreg [dreg:$0xb];
	[sflag:s10] =	ssyncadd.s32 $0xFFFFC000  }
0xda: {  	[hbm4b:s0+s3] =	stream.linear.scatter [tilespmem:s7], [sflag:$0x3], $0x4000, $0x38;
	[tilespmem:$0x8800] =	vst v63  }
0xdb: {  	_ =	swait.ge [sflag:s4], $0x4000  }
0xdc: {  	[sflag:s4] =	ssyncset.done $0x0  }
0xdd: {  	[sflag:s4] =	ssyncadd.s32 $0xFFFFC000  }
0xde: {  	[tilespmem:s7], [sflag:$0x2] =	stream.indirect.gather [hbm4b:s2+s5], $0x80, s17, s5, $0xb8;
	[tilespmem:$0x8800] =	vst v63  }
0xdf: {  	_ =	swait.ge [sflag:s8], $0x4000  }
0xe0: {  	[sflag:s8] =	ssyncset.done $0x0  }
0xe1: {  	s0 =	rddreg [dreg:$0xc];
	[sflag:s8] =	ssyncadd.s32 $0xFFFFC000  }
0xe2: {  	[hbm4b:s0+s3] =	stream.linear.scatter [tilespmem:s6], [sflag:$0x3], $0x4000, $0x38;
	[tilespmem:$0x8800] =	vst v63  }
0xe3: {  	_ =	swait.ge [sflag:s4], $0x4000  }
0xe4: {  	[sflag:s4] =	ssyncset.done $0x0  }
0xe5: {  	[sflag:s4] =	ssyncadd.s32 $0xFFFFC000  }
0xe6: {  	[tilespmem:s6], [sflag:$0x1] =	stream.indirect.gather [hbm4b:s2+s5], $0x80, s18, s5, $0xb8;
	[tilespmem:$0x8800] =	vst v63  }
0xe7: {  	_ =	swait.ge [sflag:s10], $0x4000  }
0xe8: {  	[sflag:s10] =	ssyncset.done $0x0  }
0xe9: {  	[sflag:s10] =	ssyncadd.s32 $0xFFFFC000  }
0xea: {  	[hbm4b:s19+s3] =	stream.linear.scatter [tilespmem:s7], [sflag:$0x3], $0x4000, $0x38;
	[tilespmem:$0x8800] =	vst v63  }
0xeb: {  	_ =	swait.ge [sflag:s4], $0x4000  }
0xec: {  	[sflag:s4] =	ssyncset.done $0x0  }
0xed: {  	[sflag:s4] =	ssyncadd.s32 $0xFFFFC000  }
0xee: {  	[tilespmem:s7], [sflag:$0x2] =	stream.indirect.gather [hbm4b:s2+s5], $0x80, s20, s5, $0xb8;
	[tilespmem:$0x8800] =	vst v63  }
0xef: {  	_ =	swait.ge [sflag:s8], $0x4000  }
0xf0: {  	[sflag:s8] =	ssyncset.done $0x0  }
0xf1: {  	[sflag:s8] =	ssyncadd.s32 $0xFFFFC000  }
0xf2: {  	[hbm4b:s21+s3] =	stream.linear.scatter [tilespmem:s6], [sflag:$0x3], $0x4000, $0x38;
	[tilespmem:$0x8800] =	vst v63  }
0xf3: {  	_ =	swait.ge [sflag:s4], $0x4000  }
0xf4: {  	[sflag:s4] =	ssyncset.done $0x0  }
0xf5: {  	[sflag:s4] =	ssyncadd.s32 $0xFFFFC000  }
0xf6: {  	[tilespmem:s6], [sflag:$0x1] =	stream.indirect.gather [hbm4b:s2+s5], $0x80, s22, s5, $0xb8;
	[tilespmem:$0x8800] =	vst v63  }
0xf7: {  	_ =	swait.ge [sflag:s10], $0x4000  }
0xf8: {  	[sflag:s10] =	ssyncset.done $0x0  }
0xf9: {  	[sflag:s10] =	ssyncadd.s32 $0xFFFFC000  }
0xfa: {  	[hbm4b:s23+s3] =	stream.linear.scatter [tilespmem:s7], [sflag:$0x3], $0x4000, $0x38;
	[tilespmem:$0x8800] =	vst v63  }
0xfb: {  	_ =	swait.ge [sflag:s4], $0x4000  }
0xfc: {  	[sflag:s4] =	ssyncset.done $0x0  }
0xfd: {  	[sflag:s4] =	ssyncadd.s32 $0xFFFFC000  }
0xfe: {  	[tilespmem:s7], [sflag:$0x2] =	stream.indirect.gather [hbm4b:s2+s5], $0x80, s24, s5, $0xb8;
	[tilespmem:$0x8800] =	vst v63  }
0xff: {  	_ =	swait.ge [sflag:s8], $0x4000  }
0x100: {  	[sflag:s8] =	ssyncset.done $0x0  }
0x101: {  	[sflag:s8] =	ssyncadd.s32 $0xFFFFC000  }
0x102: {  	[hbm4b:s25+s3] =	stream.linear.scatter [tilespmem:s6], [sflag:$0x3], $0x4000, $0x38;
	[tilespmem:$0x8800] =	vst v63  }
0x103: {  	_ =	swait.ge [sflag:s4], $0x4000  }
0x104: {  	[sflag:s4] =	ssyncset.done $0x0  }
0x105: {  	[sflag:s4] =	ssyncadd.s32 $0xFFFFC000  }
0x106: {  	[tilespmem:s6], [sflag:$0x1] =	stream.indirect.gather [hbm4b:s2+s5], $0x80, s26, s5, $0xb8;
	[tilespmem:$0x8800] =	vst v63  }
0x107: {  	_ =	swait.ge [sflag:s10], $0x4000  }
0x108: {  	[sflag:s10] =	ssyncset.done $0x0  }
0x109: {  	[sflag:s10] =	ssyncadd.s32 $0xFFFFC000  }
0x10a: {  	[hbm4b:s28+s3] =	stream.linear.scatter [tilespmem:s7], [sflag:$0x3], $0x4000, $0x38;
	[tilespmem:$0x8800] =	vst v63  }
0x10b: {  	_ =	swait.ge [sflag:s4], $0x4000  }
0x10c: {  	[sflag:s4] =	ssyncset.done $0x0  }
0x10d: {  	[sflag:s4] =	ssyncadd.s32 $0xFFFFC000  }
0x10e: {  	[tilespmem:s7], [sflag:$0x2] =	stream.indirect.gather [hbm4b:s2+s5], $0x80, s29, s5, $0xb8;
	[tilespmem:$0x8800] =	vst v63  }
0x10f: {  	_ =	swait.ge [sflag:s8], $0x4000  }
0x110: {  	[sflag:s8] =	ssyncset.done $0x0  }
0x111: {  	[sflag:s8] =	ssyncadd.s32 $0xFFFFC000  }
0x112: {  	[hbm4b:s30+s3] =	stream.linear.scatter [tilespmem:s6], [sflag:$0x3], $0x4000, $0x38;
	[tilespmem:$0x8800] =	vst v63  }
0x113: {  	_ =	swait.ge [sflag:s4], $0x4000  }
0x114: {  	[sflag:s4] =	ssyncset.done $0x0  }
0x115: {  	p0 =	sne.s32 s1, $0x1;
	[sflag:s4] =	ssyncadd.s32 $0xFFFFC000  }
.Ltmp1:
0x116: {  	_ =	swait.ge [sflag:s10], $0x4000;
	(pc) =	sbr.rel @p0 .LBB2_1-.Ltmp1, $4  }
0x117: {  	[sflag:s10] =	ssyncset.done $0x0  }
0x118: {  	[sflag:s10] =	ssyncadd.s32 $0xFFFFC000  }
0x119: {  	[hbm4b:s31+s3] =	stream.linear.scatter [tilespmem:s7], [sflag:$0x3], $0x4000, $0x38;
	[tilespmem:$0x8800] =	vst v63  }
0x11a: {  	s1 =	sadd.s32 $0xFFFFFFFF, s1;
	_ =	swait.ge [sflag:s4], $0x4000  }
.LBB2_2:
0x11b: {  	[sflag:s4] =	ssyncset.done $0x0  }
0x11c: {  	[sflag:s4] =	ssyncadd.s32 $0xFFFFC000  }
0x11d: {  	_ =	sfence.sel $0x180000  }
0x11e: {  	[bflag:$0x0] =	sbarrier.arrive $0xFFFF  }
0x11f: {  	_ =	strace $0x90000047  }
0x120: {  	s0 =	stileid.u32;
	[bflag:$0x2] =	sbarrier.arrive $0xFFFF  }
0x121: {  	p0 =	sne.s32 s0, $0x0;
	s0 =	rddreg [dreg:$0x2]  }
0x122: {  	s0 =	sadd.s32 @!p0 $0x100000, s0  }
0x123: {  	[sflag:s0] =	ssyncadd.tile.s32 @!p0 $0x1;
	_ =	shalt  }
.Lfunc_end2:
_tile_overlayer_lowered:
.L_overlay_start_2:
0x124: {  	(tag) =	ssettag $0x2  }
0x125: {  	s0 =	rddreg [dreg:$0x0];
	s2 =	stileid.u32  }
0x126: {  	s1 =	rddreg [dreg:$0x1];
	p0 =	sne.s32 s2, $0x0  }
0x127: {  	s3 =	rddreg [dreg:$0x2];
	[bflag:$0x3] =	sbarrier.arrive $0xFFFF;
	s2 =	simm.s32 @!p0 $0x1C03  }
0x128: {  	[timem:s3], [sflag:s2] =	dma.local @!p0 [hbm:s0], s1  }
0x129: {  	s0 =	simm.s32 @!p0 $0x3  }
0x12a: {  	_ =	swait.ge @!p0 [sflag:s0], s1  }
0x12b: {  	s1 =	ssub.s32 @!p0 $0x0, s1;
	[sflag:s0] =	ssyncset.done @!p0 $0x0  }
0x12c: {  	[sflag:s0] =	ssyncadd.s32 @!p0 s1  }
0x12d: {  	[bflag:$0x3] =	sbarrier.arrive $0xFFFF  }
0x12e: {  	_ =	shalt  }

</sc_bundles>
